<compile_context>
chip_gen: v7x
topology: tpu7x:2x2x1
jax: 0.10.2.dev20260603
libtpu: 0.0.44.dev20260713+nightly
codegen_flags: <defaults>
</compile_context>

<pallas_src>
import functools
import jax
import jax.numpy as jnp
from jax import lax
from jax.experimental import pallas as pl
from jax.experimental.pallas import tpu as pltpu
from jax.experimental.pallas import tpu_sc as plsc

N = 10000
E = 320000
ET = E + N
NPP = 10240
EB = 512
ETP = 344064
C16 = ETP // 16


def _proj_body(x_ref, w_ref, as_ref, ad_ref, h_ref, asrc_ref, adst_ref):
    ht = lax.dot_general(w_ref[...], x_ref[...],
                         (((1,), (1,)), ((), ())),
                         preferred_element_type=jnp.float32)
    h_ref[...] = ht
    asrc_ref[...] = jnp.dot(as_ref[...], ht, preferred_element_type=jnp.float32)
    adst_ref[...] = jnp.dot(ad_ref[...], ht, preferred_element_type=jnp.float32)


def _project(xp, W, a_s, a_d):
    d_out = W.shape[0]
    return pl.pallas_call(
        _proj_body,
        out_shape=(
            jax.ShapeDtypeStruct((d_out, NPP), jnp.float32),
            jax.ShapeDtypeStruct((1, NPP), jnp.float32),
            jax.ShapeDtypeStruct((1, NPP), jnp.float32),
        ),
    )(xp, W, a_s[None, :], a_d[None, :])


def _mid_body(p_ref, b_ref, w_ref, as_ref, ad_ref, h_ref, asrc_ref, adst_ref):
    ft = jax.nn.relu(p_ref[...] + b_ref[...])
    ht = jnp.dot(w_ref[...], ft, preferred_element_type=jnp.float32)
    h_ref[...] = ht
    asrc_ref[...] = jnp.dot(as_ref[...], ht, preferred_element_type=jnp.float32)
    adst_ref[...] = jnp.dot(ad_ref[...], ht, preferred_element_type=jnp.float32)


def _mid(pt, b1, W2, a_s2, a_d2):
    d_out = W2.shape[0]
    return pl.pallas_call(
        _mid_body,
        out_shape=(
            jax.ShapeDtypeStruct((d_out, NPP), jnp.float32),
            jax.ShapeDtypeStruct((1, NPP), jnp.float32),
            jax.ShapeDtypeStruct((1, NPP), jnp.float32),
        ),
    )(pt, b1[:, None], W2, a_s2[None, :], a_d2[None, :])


def _xp_body(p_ref, b2_ref, wih_ref, b_ref, xp_ref, mean_ref):
    ft = p_ref[...] + b2_ref[...]
    xp_ref[...] = lax.dot_general(ft, wih_ref[...],
                                  (((0,), (1,)), ((), ())),
                                  preferred_element_type=jnp.float32) + b_ref[...]
    cols = lax.broadcasted_iota(jnp.int32, ft.shape, 1)
    fm = jnp.where(cols < N, ft, 0.0)
    mean_ref[...] = jnp.sum(fm, axis=1, keepdims=True).T * (1.0 / N)


def _xp_and_mean(p2t, b2, W_ih, bias):
    return pl.pallas_call(
        _xp_body,
        out_shape=(
            jax.ShapeDtypeStruct((NPP, 128), jnp.float32),
            jax.ShapeDtypeStruct((1, 32), jnp.float32),
        ),
    )(p2t, b2[:, None], W_ih, bias[None, :])


def _lstm_body(xp_ref, whh_ref, mean_ref, fc1w_ref, fc1b_ref,
               fc2w1_ref, fc2b1_ref, fc2w2_ref, fc2b2_ref, out_ref):
    whh_t = whh_ref[...]

    def step(t, carry):
        h, c = carry
        xp = xp_ref[pl.ds(t, 1), :]
        g = xp + jnp.dot(h, whh_t, preferred_element_type=jnp.float32)
        i = jax.nn.sigmoid(g[:, 0:32])
        f = jax.nn.sigmoid(g[:, 32:64])
        gg = jnp.tanh(g[:, 64:96])
        o = jax.nn.sigmoid(g[:, 96:128])
        c = f * c + i * gg
        h = o * jnp.tanh(c)
        return (h, c)

    h0 = jnp.zeros((1, 32), jnp.float32)
    h_n, c_n = jax.lax.fori_loop(0, N, step, (h0, h0))

    x_r = jnp.dot(jax.nn.relu(c_n), fc1w_ref[...],
                  preferred_element_type=jnp.float32) + fc1b_ref[...]
    hid = jax.nn.relu(jnp.dot(mean_ref[...], fc2w1_ref[...],
                              preferred_element_type=jnp.float32) + fc2b1_ref[...])
    x_c = jax.nn.sigmoid(jnp.dot(hid, fc2w2_ref[...],
                                 preferred_element_type=jnp.float32) + fc2b2_ref[...])
    out_ref[...] = jnp.concatenate([x_c, x_r], axis=0)


def _lstm_heads(Xp, W_hh, mean_f, fc1_W, fc1_b, fc2_W1, fc2_b1, fc2_W2, fc2_b2):
    return pl.pallas_call(
        _lstm_body,
        out_shape=jax.ShapeDtypeStruct((2, 1), jnp.float32),
    )(Xp, W_hh.T, mean_f, fc1_W.T, fc1_b[None, :],
      fc2_W1.T, fc2_b1[None, :], fc2_W2.T, fc2_b2[None, :])


_SC_MESH = plsc.VectorSubcoreMesh(core_axis_name="c", subcore_axis_name="s",
                                  num_cores=1, num_subcores=16)
_CPARAMS = pltpu.CompilerParams(needs_layout_passes=False)


def _edge_weight(asrc_v, adst_v, src_b, dst_b, j, off):
    s16 = src_b[pl.ds(j * 16, 16)]
    d16 = dst_b[pl.ds(j * 16, 16)]
    av = plsc.load_gather(asrc_v, [s16])
    bv = plsc.load_gather(adst_v, [d16])
    z = av + bv
    e = jnp.where(z < 0.0, z * 0.2, z)
    ex = jnp.exp(e)
    gi = off + j * 16 + lax.iota(jnp.int32, 16)
    ex = jnp.where(gi < ET, ex, 0.0)
    return s16, d16, ex


@functools.partial(
    pl.kernel,
    out_type=jax.ShapeDtypeStruct((16 * NPP,), jnp.float32),
    mesh=_SC_MESH,
    compiler_params=_CPARAMS,
    scratch_types=[
        pltpu.VMEM((NPP,), jnp.float32),
        pltpu.VMEM((NPP,), jnp.float32),
        pltpu.VMEM((NPP,), jnp.float32),
        pltpu.VMEM((EB,), jnp.int32),
        pltpu.VMEM((EB,), jnp.int32),
    ],
)
def _edge_scalar(src_hbm, dst_hbm, asrc_hbm, adst_hbm, denp_hbm,
                 asrc_v, adst_v, den_v, src_b, dst_b):
    s = lax.axis_index("s")
    base = s * C16
    pltpu.sync_copy(asrc_hbm, asrc_v)
    pltpu.sync_copy(adst_hbm, adst_v)

    zz = jnp.zeros((16,), jnp.float32)

    def zden(i, carry):
        den_v[pl.ds(i * 16, 16)] = zz
        return carry
    lax.fori_loop(0, NPP // 16, zden, 0)

    def sbatch(bi, carry):
        off = base + bi * EB
        pltpu.sync_copy(src_hbm.at[pl.ds(off, EB)], src_b)
        pltpu.sync_copy(dst_hbm.at[pl.ds(off, EB)], dst_b)

        def in16(j, carry2):
            _, d16, ex = _edge_weight(asrc_v, adst_v, src_b, dst_b, j, off)
            plsc.addupdate_scatter(den_v, [d16], ex)
            return carry2
        lax.fori_loop(0, EB // 16, in16, 0)
        return carry
    lax.fori_loop(0, C16 // EB, sbatch, 0)

    pltpu.sync_copy(den_v, denp_hbm.at[pl.ds(s * NPP, NPP)])


def _den_sum_body(p_ref, den_ref):
    den_ref[...] = jnp.sum(p_ref[...], axis=0, keepdims=True)


def _den_sum(denp):
    return pl.pallas_call(
        _den_sum_body,
        out_shape=jax.ShapeDtypeStruct((1, NPP), jnp.float32),
    )(denp.reshape(16, NPP)).reshape(NPP)


def _make_edge_cols(D):
    CPT = D // 16

    @functools.partial(
        pl.kernel,
        out_type=jax.ShapeDtypeStruct((D * NPP,), jnp.float32),
        mesh=_SC_MESH,
        compiler_params=_CPARAMS,
        scratch_types=(
            [pltpu.VMEM((NPP,), jnp.float32)] * 3
            + [pltpu.VMEM((EB,), jnp.int32)] * 2
            + [pltpu.VMEM((NPP,), jnp.float32)] * CPT
            + [pltpu.VMEM((NPP,), jnp.float32)] * CPT
        ),
    )
    def k(src_hbm, dst_hbm, asrc_hbm, adst_hbm, den_hbm, ht_hbm, out_hbm,
          asrc_v, adst_v, den_v, src_b, dst_b, *cols):
        hcs = cols[:CPT]
        ocs = cols[CPT:]
        s = lax.axis_index("s")
        pltpu.sync_copy(asrc_hbm, asrc_v)
        pltpu.sync_copy(adst_hbm, adst_v)
        pltpu.sync_copy(den_hbm, den_v)
        for cc in range(CPT):
            pltpu.sync_copy(ht_hbm.at[pl.ds((s * CPT + cc) * NPP, NPP)], hcs[cc])

        zz = jnp.zeros((16,), jnp.float32)

        def zout(i, carry):
            for cc in range(CPT):
                ocs[cc][pl.ds(i * 16, 16)] = zz
            return carry
        lax.fori_loop(0, NPP // 16, zout, 0)

        def rbatch(t, carry):
            off = t * EB
            pltpu.sync_copy(src_hbm.at[pl.ds(off, EB)], src_b)
            pltpu.sync_copy(dst_hbm.at[pl.ds(off, EB)], dst_b)

            def in16(j, carry2):
                s16, d16, ex = _edge_weight(asrc_v, adst_v, src_b, dst_b, j, off)
                dv = plsc.load_gather(den_v, [d16])
                alpha = ex / (dv + 1e-16)
                for cc in range(CPT):
                    hv = plsc.load_gather(hcs[cc], [s16])
                    plsc.addupdate_scatter(ocs[cc], [d16], alpha * hv)
                return carry2
            lax.fori_loop(0, EB // 16, in16, 0)
            return carry
        lax.fori_loop(0, ETP // EB, rbatch, 0)

        for cc in range(CPT):
            pltpu.sync_copy(ocs[cc], out_hbm.at[pl.ds((s * CPT + cc) * NPP, NPP)])

    return k


_edge_cols_64 = _make_edge_cols(64)
_edge_cols_32 = _make_edge_cols(32)


def kernel(x, edge_index, edge_attr, W1, a_s1, a_d1, b1, W2, a_s2, a_d2, b2,
           W_ih, W_hh, b_ih, b_hh, fc1_W, fc1_b, fc2_W1, fc2_b1, fc2_W2, fc2_b2):
    loops = jnp.arange(N, dtype=edge_index.dtype)
    src = jnp.concatenate([edge_index[0], loops])
    dst = jnp.concatenate([edge_index[1], loops])
    src = jnp.pad(src, (0, ETP - ET))
    dst = jnp.pad(dst, (0, ETP - ET))
    xp = jnp.pad(x, ((0, NPP - N), (0, 0)))

    h1t, asrc1, adst1 = _project(xp, W1, a_s1, a_d1)
    asrc1 = asrc1.reshape(NPP)
    adst1 = adst1.reshape(NPP)
    den1 = _den_sum(_edge_scalar(src, dst, asrc1, adst1))
    p1t = _edge_cols_64(src, dst, asrc1, adst1, den1,
                        h1t.reshape(64 * NPP)).reshape(64, NPP)

    h2t, asrc2, adst2 = _mid(p1t, b1, W2, a_s2, a_d2)
    asrc2 = asrc2.reshape(NPP)
    adst2 = adst2.reshape(NPP)
    den2 = _den_sum(_edge_scalar(src, dst, asrc2, adst2))
    p2t = _edge_cols_32(src, dst, asrc2, adst2, den2,
                        h2t.reshape(32 * NPP)).reshape(32, NPP)

    Xp, mean_f = _xp_and_mean(p2t, b2, W_ih, b_ih + b_hh)
    return _lstm_heads(Xp, W_hh, mean_f, fc1_W, fc1_b,
                       fc2_W1, fc2_b1, fc2_W2, fc2_b2)

# --- scband reference (transcript-rebuilt; emitter-appended) ---
"""Pipeline reference for scband-surrogate-model-64450279244337 (READ-ONLY COPY).

The authoritative reference and input builder live on the scoring server;
editing this copy changes nothing except your own understanding.
"""

import jax, jax.numpy as jnp
import numpy as np

N = 10000
E = 320000
D_IN = 128
D_HID = 64
D_OUT = 32


def setup_inputs(seed: int = 0):
    key = jax.random.key(seed)
    ks = jax.random.split(key, 24)
    inp = {}
    inp["x"] = jax.random.normal(ks[0], (N, D_IN), dtype=jnp.float32)
    inp["edge_index"] = jax.random.randint(ks[1], (2, E), 0, N, dtype=jnp.int32)
    inp["edge_attr"] = jax.random.normal(ks[2], (E, 4), dtype=jnp.float32)
    # GATConv 1 (in=128, out=64, heads=1)
    inp["W1"] = jax.random.normal(ks[3], (D_HID, D_IN), dtype=jnp.float32) * 0.05
    inp["a_s1"] = jax.random.normal(ks[4], (D_HID,), dtype=jnp.float32) * 0.1
    inp["a_d1"] = jax.random.normal(ks[5], (D_HID,), dtype=jnp.float32) * 0.1
    inp["b1"] = jnp.zeros((D_HID,), dtype=jnp.float32)
    # GATConv 2 (in=64, out=32, heads=1)
    inp["W2"] = jax.random.normal(ks[6], (D_OUT, D_HID), dtype=jnp.float32) * 0.1
    inp["a_s2"] = jax.random.normal(ks[7], (D_OUT,), dtype=jnp.float32) * 0.1
    inp["a_d2"] = jax.random.normal(ks[8], (D_OUT,), dtype=jnp.float32) * 0.1
    inp["b2"] = jnp.zeros((D_OUT,), dtype=jnp.float32)
    # LSTM(32, 32), torch gate order i,f,g,o
    inp["W_ih"] = jax.random.normal(ks[9], (4 * 32, 32), dtype=jnp.float32) * 0.1
    inp["W_hh"] = jax.random.normal(ks[10], (4 * 32, 32), dtype=jnp.float32) * 0.1
    inp["b_ih"] = jnp.zeros((4 * 32,), dtype=jnp.float32)
    inp["b_hh"] = jnp.zeros((4 * 32,), dtype=jnp.float32)
    # fc1: ReLU -> Linear(32, 1)
    inp["fc1_W"] = jax.random.normal(ks[11], (1, 32), dtype=jnp.float32) * 0.1
    inp["fc1_b"] = jnp.zeros((1,), dtype=jnp.float32)
    # fc2: Linear(32,16) -> ReLU -> Linear(16,1) -> Sigmoid
    inp["fc2_W1"] = jax.random.normal(ks[12], (16, 32), dtype=jnp.float32) * 0.1
    inp["fc2_b1"] = jnp.zeros((16,), dtype=jnp.float32)
    inp["fc2_W2"] = jax.random.normal(ks[13], (1, 16), dtype=jnp.float32) * 0.1
    inp["fc2_b2"] = jnp.zeros((1,), dtype=jnp.float32)
    return inp


def _gat(x, src, dst, W, a_s, a_d, b, n):
    h = x @ W.T
    asrc = (h * a_s).sum(-1)
    adst = (h * a_d).sum(-1)
    e = jax.nn.leaky_relu(asrc[src] + adst[dst], 0.2)
    emax = jax.ops.segment_max(e, dst, num_segments=n)
    emax = jnp.where(jnp.isneginf(emax), 0.0, emax)
    ex = jnp.exp(e - emax[dst])
    den = jax.ops.segment_sum(ex, dst, num_segments=n)
    alpha = ex / (den[dst] + 1e-16)
    out = jax.ops.segment_sum(alpha[:, None] * h[src], dst, num_segments=n)
    return out + b


def reference(x, edge_index, edge_attr, W1, a_s1, a_d1, b1, W2, a_s2, a_d2, b2,
              W_ih, W_hh, b_ih, b_hh, fc1_W, fc1_b, fc2_W1, fc2_b1, fc2_W2, fc2_b2):
    n = x.shape[0]
    loops = jnp.arange(n, dtype=edge_index.dtype)
    src = jnp.concatenate([edge_index[0], loops])
    dst = jnp.concatenate([edge_index[1], loops])
    feats = jax.nn.relu(_gat(x, src, dst, W1, a_s1, a_d1, b1, n))
    feats = _gat(feats, src, dst, W2, a_s2, a_d2, b2, n)
    # classification head on mean-pooled graph feature
    x_c = jnp.mean(feats, axis=0)
    x_c = jax.nn.sigmoid(jax.nn.relu(x_c @ fc2_W1.T + fc2_b1) @ fc2_W2.T + fc2_b2)
    # regression head: unbatched LSTM over node sequence, take final cell state c_n
    def cell(carry, xt):
        h, c = carry
        g = xt @ W_ih.T + b_ih + h @ W_hh.T + b_hh
        i, f, gg, o = jnp.split(g, 4)
        i = jax.nn.sigmoid(i)
        f = jax.nn.sigmoid(f)
        gg = jnp.tanh(gg)
        o = jax.nn.sigmoid(o)
        c = f * c + i * gg
        h = o * jnp.tanh(c)
        return (h, c), None
    init = (jnp.zeros((32,), jnp.float32), jnp.zeros((32,), jnp.float32))
    (h_n, c_n), _ = jax.lax.scan(cell, init, feats)
    x_r = jax.nn.relu(c_n) @ fc1_W.T + fc1_b
    return jnp.stack([x_c, x_r], axis=0)

if __name__ == "__main__":
    import jax
    _d = setup_inputs()
    print(jax.jit(kernel)(*tuple(_d.values())))

</pallas_src>

<mosaic_0001>
#map = affine_map<(d0, d1) -> (0)>
module attributes {stable_mosaic.version = 14 : i64} {
  func.func @_edge_scalar(%arg0: i32, %arg1: i32, %arg2: memref<344064xi32, #tpu.memory_space<hbm>>, %arg3: memref<344064xi32, #tpu.memory_space<hbm>>, %arg4: memref<10240xf32, #tpu.memory_space<hbm>>, %arg5: memref<10240xf32, #tpu.memory_space<hbm>>, %arg6: memref<163840xf32, #tpu.memory_space<hbm>>, %arg7: memref<10240xf32, #tpu.memory_space<vmem>>, %arg8: memref<10240xf32, #tpu.memory_space<vmem>>, %arg9: memref<10240xf32, #tpu.memory_space<vmem>>, %arg10: memref<512xi32, #tpu.memory_space<vmem>>, %arg11: memref<512xi32, #tpu.memory_space<vmem>>) attributes {dimension_semantics = [#tpu.dimension_semantics<core_parallel>, #tpu.dimension_semantics<subcore_parallel>], iteration_bounds = array<i64: 1, 16>, scalar_prefetch = 0 : i64, scratch_operands = 5 : i64, tpu.core_type = #tpu.core_type<sc_vector_subcore>, window_params = [{transform_indices = #map}, {transform_indices = #map}, {transform_indices = #map}, {transform_indices = #map}, {transform_indices = #map}]} {
    %mul3A = arith.constant 21504 : i32
    %mul3A_0 = arith.muli %arg1, %mul3A : i32
    "tpu.region"() ({
      %run_scoped3A = tpu.sem_alloc : memref<!tpu.dma_semaphore, #tpu.memory_space<semaphore_mem>>
      tpu.enqueue_dma source(%arg4 : memref<10240xf32, #tpu.memory_space<hbm>>) target(%arg7 : memref<10240xf32, #tpu.memory_space<vmem>>) target_semaphore(%run_scoped3A : memref<!tpu.dma_semaphore, #tpu.memory_space<semaphore_mem>>)
      tpu.wait_dma2 semaphore(%run_scoped3A : memref<!tpu.dma_semaphore, #tpu.memory_space<semaphore_mem>>) src(%arg4 : memref<10240xf32, #tpu.memory_space<hbm>>) dst(%arg7 : memref<10240xf32, #tpu.memory_space<vmem>>)
      tpu.yield
    }) : () -> ()
    "tpu.region"() ({
      %run_scoped3A = tpu.sem_alloc : memref<!tpu.dma_semaphore, #tpu.memory_space<semaphore_mem>>
      tpu.enqueue_dma source(%arg5 : memref<10240xf32, #tpu.memory_space<hbm>>) target(%arg8 : memref<10240xf32, #tpu.memory_space<vmem>>) target_semaphore(%run_scoped3A : memref<!tpu.dma_semaphore, #tpu.memory_space<semaphore_mem>>)
      tpu.wait_dma2 semaphore(%run_scoped3A : memref<!tpu.dma_semaphore, #tpu.memory_space<semaphore_mem>>) src(%arg5 : memref<10240xf32, #tpu.memory_space<hbm>>) dst(%arg8 : memref<10240xf32, #tpu.memory_space<vmem>>)
      tpu.yield
    }) : () -> ()
    %broadcast_in_dim3A = arith.constant 0.000000e+00 : f32
    %broadcast_in_dim3A_1 = vector.broadcast %broadcast_in_dim3A : f32 to vector<16xf32>
    %scan3A = arith.constant 0 : i32
    %scan3A_2 = arith.constant 0 : i32
    %scan3A_3 = arith.constant 640 : i32
    %scan3A_4 = arith.addi %scan3A_2, %scan3A_3 : i32
    %scan3A_5 = arith.constant 1 : i32
    scf.for %scan3A_15 = %scan3A_2 to %scan3A_4 step %scan3A_5  : i32 {
      %mul3A_16 = arith.constant 16 : i32
      %mul3A_17 = arith.muli %scan3A_15, %mul3A_16 : i32
      %swap3A = arith.index_cast %mul3A_17 : i32 to index
      %swap3A_18 = tpu.vector_load %arg9[%swap3A] {strides = array<i32>} : memref<10240xf32, #tpu.memory_space<vmem>>, vector<16xf32>,
      tpu.vector_store %arg9[%swap3A], %broadcast_in_dim3A_1 {strides = array<i32>} : memref<10240xf32, #tpu.memory_space<vmem>>, vector<16xf32>,
    }
    %scan3A_6 = arith.constant 640 : i32
    %scan3A_7 = arith.constant 0 : i32
    %scan3A_8 = arith.constant 0 : i32
    %scan3A_9 = arith.constant 42 : i32
    %scan3A_10 = arith.addi %scan3A_8, %scan3A_9 : i32
    %scan3A_11 = arith.constant 1 : i32
    scf.for %scan3A_15 = %scan3A_8 to %scan3A_10 step %scan3A_11  : i32 {
      %mul3A_16 = arith.constant 512 : i32
      %mul3A_17 = arith.muli %scan3A_15, %mul3A_16 : i32
      %add3A = arith.addi %mul3A_0, %mul3A_17 : i32
      "tpu.region"() ({
        %run_scoped3A = tpu.sem_alloc : memref<!tpu.dma_semaphore, #tpu.memory_space<semaphore_mem>>
        %dma_start3A = tpu.memref_slice %arg2[%add3A] : memref<344064xi32, #tpu.memory_space<hbm>> -> memref<512xi32, #tpu.memory_space<hbm>>
        %dma_start3A_24 = tpu.memref_slice %arg2[%add3A] : memref<344064xi32, #tpu.memory_space<hbm>> -> memref<512xi32, #tpu.memory_space<hbm>>
        tpu.enqueue_dma source(%dma_start3A_24 : memref<512xi32, #tpu.memory_space<hbm>>) target(%arg10 : memref<512xi32, #tpu.memory_space<vmem>>) target_semaphore(%run_scoped3A : memref<!tpu.dma_semaphore, #tpu.memory_space<semaphore_mem>>)
        %dma_wait3A = tpu.memref_slice %arg2[%add3A] : memref<344064xi32, #tpu.memory_space<hbm>> -> memref<512xi32, #tpu.memory_space<hbm>>
        %dma_wait3A_25 = tpu.memref_slice %arg2[%add3A] : memref<344064xi32, #tpu.memory_space<hbm>> -> memref<512xi32, #tpu.memory_space<hbm>>
        tpu.wait_dma2 semaphore(%run_scoped3A : memref<!tpu.dma_semaphore, #tpu.memory_space<semaphore_mem>>) src(%dma_wait3A_25 : memref<512xi32, #tpu.memory_space<hbm>>) dst(%arg10 : memref<512xi32, #tpu.memory_space<vmem>>)
        tpu.yield
      }) : () -> ()
      "tpu.region"() ({
        %run_scoped3A = tpu.sem_alloc : memref<!tpu.dma_semaphore, #tpu.memory_space<semaphore_mem>>
        %dma_start3A = tpu.memref_slice %arg3[%add3A] : memref<344064xi32, #tpu.memory_space<hbm>> -> memref<512xi32, #tpu.memory_space<hbm>>
        %dma_start3A_24 = tpu.memref_slice %arg3[%add3A] : memref<344064xi32, #tpu.memory_space<hbm>> -> memref<512xi32, #tpu.memory_space<hbm>>
        tpu.enqueue_dma source(%dma_start3A_24 : memref<512xi32, #tpu.memory_space<hbm>>) target(%arg11 : memref<512xi32, #tpu.memory_space<vmem>>) target_semaphore(%run_scoped3A : memref<!tpu.dma_semaphore, #tpu.memory_space<semaphore_mem>>)
        %dma_wait3A = tpu.memref_slice %arg3[%add3A] : memref<344064xi32, #tpu.memory_space<hbm>> -> memref<512xi32, #tpu.memory_space<hbm>>
        %dma_wait3A_25 = tpu.memref_slice %arg3[%add3A] : memref<344064xi32, #tpu.memory_space<hbm>> -> memref<512xi32, #tpu.memory_space<hbm>>
        tpu.wait_dma2 semaphore(%run_scoped3A : memref<!tpu.dma_semaphore, #tpu.memory_space<semaphore_mem>>) src(%dma_wait3A_25 : memref<512xi32, #tpu.memory_space<hbm>>) dst(%arg11 : memref<512xi32, #tpu.memory_space<vmem>>)
        tpu.yield
      }) : () -> ()
      %scan3A_18 = arith.constant 0 : i32
      %scan3A_19 = arith.constant 0 : i32
      %scan3A_20 = arith.constant 32 : i32
      %scan3A_21 = arith.addi %scan3A_19, %scan3A_20 : i32
      %scan3A_22 = arith.constant 1 : i32
      scf.for %scan3A_24 = %scan3A_19 to %scan3A_21 step %scan3A_22  : i32 {
        %mul3A_25 = arith.constant 16 : i32
        %mul3A_26 = arith.muli %scan3A_24, %mul3A_25 : i32
        %get3A = arith.index_cast %mul3A_26 : i32 to index
        %get3A_27 = tpu.vector_load %arg10[%get3A] {strides = array<i32>} : memref<512xi32, #tpu.memory_space<vmem>>, vector<16xi32>,
        %mul3A_28 = arith.constant 16 : i32
        %mul3A_29 = arith.muli %scan3A_24, %mul3A_28 : i32
        %get3A_30 = arith.index_cast %mul3A_29 : i32 to index
        %get3A_31 = tpu.vector_load %arg11[%get3A_30] {strides = array<i32>} : memref<512xi32, #tpu.memory_space<vmem>>, vector<16xi32>,
        %gather3A = tpu.vector_load_idx %arg7[%get3A_27] : memref<10240xf32, #tpu.memory_space<vmem>>[vector<16xi32>], vector<16xf32>,
        %gather3A_32 = tpu.vector_load_idx %arg8[%get3A_31] : memref<10240xf32, #tpu.memory_space<vmem>>[vector<16xi32>], vector<16xf32>,
        %add3A_33 = arith.addf %gather3A, %gather3A_32 : vector<16xf32>
        %lt3A = arith.constant 0.000000e+00 : f32
        %lt3A_34 = vector.broadcast %lt3A : f32 to vector<16xf32>
        %lt3A_35 = arith.cmpf olt, %add3A_33, %lt3A_34 : vector<16xf32>
        %mul3A_36 = arith.constant 2.000000e-01 : f32
        %mul3A_37 = vector.broadcast %mul3A_36 : f32 to vector<16xf32>
        %mul3A_38 = arith.mulf %add3A_33, %mul3A_37 : vector<16xf32>
        %select_n3A = arith.select %lt3A_35, %mul3A_38, %add3A_33 : vector<16xi1>, vector<16xf32>
        %exp3A = math.exp %select_n3A : vector<16xf32>
        %mul3A_39 = arith.constant 16 : i32
        %mul3A_40 = arith.muli %scan3A_24, %mul3A_39 : i32
        %add3A_41 = arith.addi %add3A, %mul3A_40 : i32
        %iota3A = tpu.iota {dimensions = array<i32: 0>} : vector<16xi32>
        %add3A_42 = vector.broadcast %add3A_41 : i32 to vector<16xi32>
        %add3A_43 = arith.addi %add3A_42, %iota3A : vector<16xi32>
        %lt3A_44 = arith.constant 330000 : i32
        %lt3A_45 = vector.broadcast %lt3A_44 : i32 to vector<16xi32>
        %lt3A_46 = arith.cmpi slt, %add3A_43, %lt3A_45 : vector<16xi32>
        %jit3A = arith.constant 0.000000e+00 : f32
        %broadcast_in_dim3A_47 = vector.broadcast %jit3A : f32 to vector<16xf32>
        %select_n3A_48 = arith.select %lt3A_46, %exp3A, %broadcast_in_dim3A_47 : vector<16xi1>, vector<16xf32>
        tpu.vector_store_idx %arg9[%get3A_31], %select_n3A_48 {add = true} : memref<10240xf32, #tpu.memory_space<vmem>>[vector<16xi32>], vector<16xf32>,
      }
      %scan3A_23 = arith.constant 32 : i32
    }
    %scan3A_12 = arith.constant 42 : i32
    %mul3A_13 = arith.constant 10240 : i32
    %mul3A_14 = arith.muli %arg1, %mul3A_13 : i32
    "tpu.region"() ({
      %run_scoped3A = tpu.sem_alloc : memref<!tpu.dma_semaphore, #tpu.memory_space<semaphore_mem>>
      %dma_start3A = tpu.memref_slice %arg6[%mul3A_14] : memref<163840xf32, #tpu.memory_space<hbm>> -> memref<10240xf32, #tpu.memory_space<hbm>>
      %dma_start3A_15 = tpu.memref_slice %arg6[%mul3A_14] : memref<163840xf32, #tpu.memory_space<hbm>> -> memref<10240xf32, #tpu.memory_space<hbm>>
      tpu.enqueue_dma source(%arg9 : memref<10240xf32, #tpu.memory_space<vmem>>) target(%dma_start3A_15 : memref<10240xf32, #tpu.memory_space<hbm>>) target_semaphore(%run_scoped3A : memref<!tpu.dma_semaphore, #tpu.memory_space<semaphore_mem>>)
      %dma_wait3A = tpu.memref_slice %arg6[%mul3A_14] : memref<163840xf32, #tpu.memory_space<hbm>> -> memref<10240xf32, #tpu.memory_space<hbm>>
      %dma_wait3A_16 = tpu.memref_slice %arg6[%mul3A_14] : memref<163840xf32, #tpu.memory_space<hbm>> -> memref<10240xf32, #tpu.memory_space<hbm>>
      tpu.wait_dma2 semaphore(%run_scoped3A : memref<!tpu.dma_semaphore, #tpu.memory_space<semaphore_mem>>) src(%arg9 : memref<10240xf32, #tpu.memory_space<vmem>>) dst(%dma_wait3A_16 : memref<10240xf32, #tpu.memory_space<hbm>>)
      tpu.yield
    }) : () -> ()
    return
  }
}

#map = affine_map<(d0, d1) -> (0)>
module attributes {stable_mosaic.version = 14 : i64} {
  func.func @k(%arg0: i32, %arg1: i32, %arg2: memref<344064xi32, #tpu.memory_space<hbm>>, %arg3: memref<344064xi32, #tpu.memory_space<hbm>>, %arg4: memref<10240xf32, #tpu.memory_space<hbm>>, %arg5: memref<10240xf32, #tpu.memory_space<hbm>>, %arg6: memref<10240xf32, #tpu.memory_space<hbm>>, %arg7: memref<655360xf32, #tpu.memory_space<hbm>>, %arg8: memref<655360xf32, #tpu.memory_space<hbm>>, %arg9: memref<10240xf32, #tpu.memory_space<vmem>>, %arg10: memref<10240xf32, #tpu.memory_space<vmem>>, %arg11: memref<10240xf32, #tpu.memory_space<vmem>>, %arg12: memref<512xi32, #tpu.memory_space<vmem>>, %arg13: memref<512xi32, #tpu.memory_space<vmem>>, %arg14: memref<10240xf32, #tpu.memory_space<vmem>>, %arg15: memref<10240xf32, #tpu.memory_space<vmem>>, %arg16: memref<10240xf32, #tpu.memory_space<vmem>>, %arg17: memref<10240xf32, #tpu.memory_space<vmem>>, %arg18: memref<10240xf32, #tpu.memory_space<vmem>>, %arg19: memref<10240xf32, #tpu.memory_space<vmem>>, %arg20: memref<10240xf32, #tpu.memory_space<vmem>>, %arg21: memref<10240xf32, #tpu.memory_space<vmem>>) attributes {dimension_semantics = [#tpu.dimension_semantics<core_parallel>, #tpu.dimension_semantics<subcore_parallel>], iteration_bounds = array<i64: 1, 16>, scalar_prefetch = 0 : i64, scratch_operands = 13 : i64, tpu.core_type = #tpu.core_type<sc_vector_subcore>, window_params = [{transform_indices = #map}, {transform_indices = #map}, {transform_indices = #map}, {transform_indices = #map}, {transform_indices = #map}, {transform_indices = #map}, {transform_indices = #map}]} {
    "tpu.region"() ({
      %run_scoped3A = tpu.sem_alloc : memref<!tpu.dma_semaphore, #tpu.memory_space<semaphore_mem>>
      tpu.enqueue_dma source(%arg4 : memref<10240xf32, #tpu.memory_space<hbm>>) target(%arg9 : memref<10240xf32, #tpu.memory_space<vmem>>) target_semaphore(%run_scoped3A : memref<!tpu.dma_semaphore, #tpu.memory_space<semaphore_mem>>)
      tpu.wait_dma2 semaphore(%run_scoped3A : memref<!tpu.dma_semaphore, #tpu.memory_space<semaphore_mem>>) src(%arg4 : memref<10240xf32, #tpu.memory_space<hbm>>) dst(%arg9 : memref<10240xf32, #tpu.memory_space<vmem>>)
      tpu.yield
    }) : () -> ()
    "tpu.region"() ({
      %run_scoped3A = tpu.sem_alloc : memref<!tpu.dma_semaphore, #tpu.memory_space<semaphore_mem>>
      tpu.enqueue_dma source(%arg5 : memref<10240xf32, #tpu.memory_space<hbm>>) target(%arg10 : memref<10240xf32, #tpu.memory_space<vmem>>) target_semaphore(%run_scoped3A : memref<!tpu.dma_semaphore, #tpu.memory_space<semaphore_mem>>)
      tpu.wait_dma2 semaphore(%run_scoped3A : memref<!tpu.dma_semaphore, #tpu.memory_space<semaphore_mem>>) src(%arg5 : memref<10240xf32, #tpu.memory_space<hbm>>) dst(%arg10 : memref<10240xf32, #tpu.memory_space<vmem>>)
      tpu.yield
    }) : () -> ()
    "tpu.region"() ({
      %run_scoped3A = tpu.sem_alloc : memref<!tpu.dma_semaphore, #tpu.memory_space<semaphore_mem>>
      tpu.enqueue_dma source(%arg6 : memref<10240xf32, #tpu.memory_space<hbm>>) target(%arg11 : memref<10240xf32, #tpu.memory_space<vmem>>) target_semaphore(%run_scoped3A : memref<!tpu.dma_semaphore, #tpu.memory_space<semaphore_mem>>)
      tpu.wait_dma2 semaphore(%run_scoped3A : memref<!tpu.dma_semaphore, #tpu.memory_space<semaphore_mem>>) src(%arg6 : memref<10240xf32, #tpu.memory_space<hbm>>) dst(%arg11 : memref<10240xf32, #tpu.memory_space<vmem>>)
      tpu.yield
    }) : () -> ()
    %mul3A = arith.constant 4 : i32
    %mul3A_0 = arith.muli %arg1, %mul3A : i32
    %add3A = arith.constant 0 : i32
    %add3A_1 = arith.addi %mul3A_0, %add3A : i32
    %mul3A_2 = arith.constant 10240 : i32
    %mul3A_3 = arith.muli %add3A_1, %mul3A_2 : i32
    "tpu.region"() ({
      %run_scoped3A = tpu.sem_alloc : memref<!tpu.dma_semaphore, #tpu.memory_space<semaphore_mem>>
      %dma_start3A = tpu.memref_slice %arg7[%mul3A_3] : memref<655360xf32, #tpu.memory_space<hbm>> -> memref<10240xf32, #tpu.memory_space<hbm>>
      %dma_start3A_58 = tpu.memref_slice %arg7[%mul3A_3] : memref<655360xf32, #tpu.memory_space<hbm>> -> memref<10240xf32, #tpu.memory_space<hbm>>
      tpu.enqueue_dma source(%dma_start3A_58 : memref<10240xf32, #tpu.memory_space<hbm>>) target(%arg14 : memref<10240xf32, #tpu.memory_space<vmem>>) target_semaphore(%run_scoped3A : memref<!tpu.dma_semaphore, #tpu.memory_space<semaphore_mem>>)
      %dma_wait3A = tpu.memref_slice %arg7[%mul3A_3] : memref<655360xf32, #tpu.memory_space<hbm>> -> memref<10240xf32, #tpu.memory_space<hbm>>
      %dma_wait3A_59 = tpu.memref_slice %arg7[%mul3A_3] : memref<655360xf32, #tpu.memory_space<hbm>> -> memref<10240xf32, #tpu.memory_space<hbm>>
      tpu.wait_dma2 semaphore(%run_scoped3A : memref<!tpu.dma_semaphore, #tpu.memory_space<semaphore_mem>>) src(%dma_wait3A_59 : memref<10240xf32, #tpu.memory_space<hbm>>) dst(%arg14 : memref<10240xf32, #tpu.memory_space<vmem>>)
      tpu.yield
    }) : () -> ()
    %mul3A_4 = arith.constant 4 : i32
    %mul3A_5 = arith.muli %arg1, %mul3A_4 : i32
    %add3A_6 = arith.constant 1 : i32
    %add3A_7 = arith.addi %mul3A_5, %add3A_6 : i32
    %mul3A_8 = arith.constant 10240 : i32
    %mul3A_9 = arith.muli %add3A_7, %mul3A_8 : i32
    "tpu.region"() ({
      %run_scoped3A = tpu.sem_alloc : memref<!tpu.dma_semaphore, #tpu.memory_space<semaphore_mem>>
      %dma_start3A = tpu.memref_slice %arg7[%mul3A_9] : memref<655360xf32, #tpu.memory_space<hbm>> -> memref<10240xf32, #tpu.memory_space<hbm>>
      %dma_start3A_58 = tpu.memref_slice %arg7[%mul3A_9] : memref<655360xf32, #tpu.memory_space<hbm>> -> memref<10240xf32, #tpu.memory_space<hbm>>
      tpu.enqueue_dma source(%dma_start3A_58 : memref<10240xf32, #tpu.memory_space<hbm>>) target(%arg15 : memref<10240xf32, #tpu.memory_space<vmem>>) target_semaphore(%run_scoped3A : memref<!tpu.dma_semaphore, #tpu.memory_space<semaphore_mem>>)
      %dma_wait3A = tpu.memref_slice %arg7[%mul3A_9] : memref<655360xf32, #tpu.memory_space<hbm>> -> memref<10240xf32, #tpu.memory_space<hbm>>
      %dma_wait3A_59 = tpu.memref_slice %arg7[%mul3A_9] : memref<655360xf32, #tpu.memory_space<hbm>> -> memref<10240xf32, #tpu.memory_space<hbm>>
      tpu.wait_dma2 semaphore(%run_scoped3A : memref<!tpu.dma_semaphore, #tpu.memory_space<semaphore_mem>>) src(%dma_wait3A_59 : memref<10240xf32, #tpu.memory_space<hbm>>) dst(%arg15 : memref<10240xf32, #tpu.memory_space<vmem>>)
      tpu.yield
    }) : () -> ()
    %mul3A_10 = arith.constant 4 : i32
    %mul3A_11 = arith.muli %arg1, %mul3A_10 : i32
    %add3A_12 = arith.constant 2 : i32
    %add3A_13 = arith.addi %mul3A_11, %add3A_12 : i32
    %mul3A_14 = arith.constant 10240 : i32
    %mul3A_15 = arith.muli %add3A_13, %mul3A_14 : i32
    "tpu.region"() ({
      %run_scoped3A = tpu.sem_alloc : memref<!tpu.dma_semaphore, #tpu.memory_space<semaphore_mem>>
      %dma_start3A = tpu.memref_slice %arg7[%mul3A_15] : memref<655360xf32, #tpu.memory_space<hbm>> -> memref<10240xf32, #tpu.memory_space<hbm>>
      %dma_start3A_58 = tpu.memref_slice %arg7[%mul3A_15] : memref<655360xf32, #tpu.memory_space<hbm>> -> memref<10240xf32, #tpu.memory_space<hbm>>
      tpu.enqueue_dma source(%dma_start3A_58 : memref<10240xf32, #tpu.memory_space<hbm>>) target(%arg16 : memref<10240xf32, #tpu.memory_space<vmem>>) target_semaphore(%run_scoped3A : memref<!tpu.dma_semaphore, #tpu.memory_space<semaphore_mem>>)
      %dma_wait3A = tpu.memref_slice %arg7[%mul3A_15] : memref<655360xf32, #tpu.memory_space<hbm>> -> memref<10240xf32, #tpu.memory_space<hbm>>
      %dma_wait3A_59 = tpu.memref_slice %arg7[%mul3A_15] : memref<655360xf32, #tpu.memory_space<hbm>> -> memref<10240xf32, #tpu.memory_space<hbm>>
      tpu.wait_dma2 semaphore(%run_scoped3A : memref<!tpu.dma_semaphore, #tpu.memory_space<semaphore_mem>>) src(%dma_wait3A_59 : memref<10240xf32, #tpu.memory_space<hbm>>) dst(%arg16 : memref<10240xf32, #tpu.memory_space<vmem>>)
      tpu.yield
    }) : () -> ()
    %mul3A_16 = arith.constant 4 : i32
    %mul3A_17 = arith.muli %arg1, %mul3A_16 : i32
    %add3A_18 = arith.constant 3 : i32
    %add3A_19 = arith.addi %mul3A_17, %add3A_18 : i32
    %mul3A_20 = arith.constant 10240 : i32
    %mul3A_21 = arith.muli %add3A_19, %mul3A_20 : i32
    "tpu.region"() ({
      %run_scoped3A = tpu.sem_alloc : memref<!tpu.dma_semaphore, #tpu.memory_space<semaphore_mem>>
      %dma_start3A = tpu.memref_slice %arg7[%mul3A_21] : memref<655360xf32, #tpu.memory_space<hbm>> -> memref<10240xf32, #tpu.memory_space<hbm>>
      %dma_start3A_58 = tpu.memref_slice %arg7[%mul3A_21] : memref<655360xf32, #tpu.memory_space<hbm>> -> memref<10240xf32, #tpu.memory_space<hbm>>
      tpu.enqueue_dma source(%dma_start3A_58 : memref<10240xf32, #tpu.memory_space<hbm>>) target(%arg17 : memref<10240xf32, #tpu.memory_space<vmem>>) target_semaphore(%run_scoped3A : memref<!tpu.dma_semaphore, #tpu.memory_space<semaphore_mem>>)
      %dma_wait3A = tpu.memref_slice %arg7[%mul3A_21] : memref<655360xf32, #tpu.memory_space<hbm>> -> memref<10240xf32, #tpu.memory_space<hbm>>
      %dma_wait3A_59 = tpu.memref_slice %arg7[%mul3A_21] : memref<655360xf32, #tpu.memory_space<hbm>> -> memref<10240xf32, #tpu.memory_space<hbm>>
      tpu.wait_dma2 semaphore(%run_scoped3A : memref<!tpu.dma_semaphore, #tpu.memory_space<semaphore_mem>>) src(%dma_wait3A_59 : memref<10240xf32, #tpu.memory_space<hbm>>) dst(%arg17 : memref<10240xf32, #tpu.memory_space<vmem>>)
      tpu.yield
    }) : () -> ()
    %broadcast_in_dim3A = arith.constant 0.000000e+00 : f32
    %broadcast_in_dim3A_22 = vector.broadcast %broadcast_in_dim3A : f32 to vector<16xf32>
    %scan3A = arith.constant 0 : i32
    %scan3A_23 = arith.constant 0 : i32
    %scan3A_24 = arith.constant 640 : i32
    %scan3A_25 = arith.addi %scan3A_23, %scan3A_24 : i32
    %scan3A_26 = arith.constant 1 : i32
    scf.for %scan3A_58 = %scan3A_23 to %scan3A_25 step %scan3A_26  : i32 {
      %mul3A_59 = arith.constant 16 : i32
      %mul3A_60 = arith.muli %scan3A_58, %mul3A_59 : i32
      %swap3A = arith.index_cast %mul3A_60 : i32 to index
      %swap3A_61 = tpu.vector_load %arg18[%swap3A] {strides = array<i32>} : memref<10240xf32, #tpu.memory_space<vmem>>, vector<16xf32>,
      tpu.vector_store %arg18[%swap3A], %broadcast_in_dim3A_22 {strides = array<i32>} : memref<10240xf32, #tpu.memory_space<vmem>>, vector<16xf32>,
      %mul3A_62 = arith.constant 16 : i32
      %mul3A_63 = arith.muli %scan3A_58, %mul3A_62 : i32
      %swap3A_64 = arith.index_cast %mul3A_63 : i32 to index
      %swap3A_65 = tpu.vector_load %arg19[%swap3A_64] {strides = array<i32>} : memref<10240xf32, #tpu.memory_space<vmem>>, vector<16xf32>,
      tpu.vector_store %arg19[%swap3A_64], %broadcast_in_dim3A_22 {strides = array<i32>} : memref<10240xf32, #tpu.memory_space<vmem>>, vector<16xf32>,
      %mul3A_66 = arith.constant 16 : i32
      %mul3A_67 = arith.muli %scan3A_58, %mul3A_66 : i32
      %swap3A_68 = arith.index_cast %mul3A_67 : i32 to index
      %swap3A_69 = tpu.vector_load %arg20[%swap3A_68] {strides = array<i32>} : memref<10240xf32, #tpu.memory_space<vmem>>, vector<16xf32>,
      tpu.vector_store %arg20[%swap3A_68], %broadcast_in_dim3A_22 {strides = array<i32>} : memref<10240xf32, #tpu.memory_space<vmem>>, vector<16xf32>,
      %mul3A_70 = arith.constant 16 : i32
      %mul3A_71 = arith.muli %scan3A_58, %mul3A_70 : i32
      %swap3A_72 = arith.index_cast %mul3A_71 : i32 to index
      %swap3A_73 = tpu.vector_load %arg21[%swap3A_72] {strides = array<i32>} : memref<10240xf32, #tpu.memory_space<vmem>>, vector<16xf32>,
      tpu.vector_store %arg21[%swap3A_72], %broadcast_in_dim3A_22 {strides = array<i32>} : memref<10240xf32, #tpu.memory_space<vmem>>, vector<16xf32>,
    }
    %scan3A_27 = arith.constant 640 : i32
    %scan3A_28 = arith.constant 0 : i32
    %scan3A_29 = arith.constant 0 : i32
    %scan3A_30 = arith.constant 672 : i32
    %scan3A_31 = arith.addi %scan3A_29, %scan3A_30 : i32
    %scan3A_32 = arith.constant 1 : i32
    scf.for %scan3A_58 = %scan3A_29 to %scan3A_31 step %scan3A_32  : i32 {
      %mul3A_59 = arith.constant 512 : i32
      %mul3A_60 = arith.muli %scan3A_58, %mul3A_59 : i32
      "tpu.region"() ({
        %run_scoped3A = tpu.sem_alloc : memref<!tpu.dma_semaphore, #tpu.memory_space<semaphore_mem>>
        %dma_start3A = tpu.memref_slice %arg2[%mul3A_60] : memref<344064xi32, #tpu.memory_space<hbm>> -> memref<512xi32, #tpu.memory_space<hbm>>
        %dma_start3A_67 = tpu.memref_slice %arg2[%mul3A_60] : memref<344064xi32, #tpu.memory_space<hbm>> -> memref<512xi32, #tpu.memory_space<hbm>>
        tpu.enqueue_dma source(%dma_start3A_67 : memref<512xi32, #tpu.memory_space<hbm>>) target(%arg12 : memref<512xi32, #tpu.memory_space<vmem>>) target_semaphore(%run_scoped3A : memref<!tpu.dma_semaphore, #tpu.memory_space<semaphore_mem>>)
        %dma_wait3A = tpu.memref_slice %arg2[%mul3A_60] : memref<344064xi32, #tpu.memory_space<hbm>> -> memref<512xi32, #tpu.memory_space<hbm>>
        %dma_wait3A_68 = tpu.memref_slice %arg2[%mul3A_60] : memref<344064xi32, #tpu.memory_space<hbm>> -> memref<512xi32, #tpu.memory_space<hbm>>
        tpu.wait_dma2 semaphore(%run_scoped3A : memref<!tpu.dma_semaphore, #tpu.memory_space<semaphore_mem>>) src(%dma_wait3A_68 : memref<512xi32, #tpu.memory_space<hbm>>) dst(%arg12 : memref<512xi32, #tpu.memory_space<vmem>>)
        tpu.yield
      }) : () -> ()
      "tpu.region"() ({
        %run_scoped3A = tpu.sem_alloc : memref<!tpu.dma_semaphore, #tpu.memory_space<semaphore_mem>>
        %dma_start3A = tpu.memref_slice %arg3[%mul3A_60] : memref<344064xi32, #tpu.memory_space<hbm>> -> memref<512xi32, #tpu.memory_space<hbm>>
        %dma_start3A_67 = tpu.memref_slice %arg3[%mul3A_60] : memref<344064xi32, #tpu.memory_space<hbm>> -> memref<512xi32, #tpu.memory_space<hbm>>
        tpu.enqueue_dma source(%dma_start3A_67 : memref<512xi32, #tpu.memory_space<hbm>>) target(%arg13 : memref<512xi32, #tpu.memory_space<vmem>>) target_semaphore(%run_scoped3A : memref<!tpu.dma_semaphore, #tpu.memory_space<semaphore_mem>>)
        %dma_wait3A = tpu.memref_slice %arg3[%mul3A_60] : memref<344064xi32, #tpu.memory_space<hbm>> -> memref<512xi32, #tpu.memory_space<hbm>>
        %dma_wait3A_68 = tpu.memref_slice %arg3[%mul3A_60] : memref<344064xi32, #tpu.memory_space<hbm>> -> memref<512xi32, #tpu.memory_space<hbm>>
        tpu.wait_dma2 semaphore(%run_scoped3A : memref<!tpu.dma_semaphore, #tpu.memory_space<semaphore_mem>>) src(%dma_wait3A_68 : memref<512xi32, #tpu.memory_space<hbm>>) dst(%arg13 : memref<512xi32, #tpu.memory_space<vmem>>)
        tpu.yield
      }) : () -> ()
      %scan3A_61 = arith.constant 0 : i32
      %scan3A_62 = arith.constant 0 : i32
      %scan3A_63 = arith.constant 32 : i32
      %scan3A_64 = arith.addi %scan3A_62, %scan3A_63 : i32
      %scan3A_65 = arith.constant 1 : i32
      scf.for %scan3A_67 = %scan3A_62 to %scan3A_64 step %scan3A_65  : i32 {
        %mul3A_68 = arith.constant 16 : i32
        %mul3A_69 = arith.muli %scan3A_67, %mul3A_68 : i32
        %get3A = arith.index_cast %mul3A_69 : i32 to index
        %get3A_70 = tpu.vector_load %arg12[%get3A] {strides = array<i32>} : memref<512xi32, #tpu.memory_space<vmem>>, vector<16xi32>,
        %mul3A_71 = arith.constant 16 : i32
        %mul3A_72 = arith.muli %scan3A_67, %mul3A_71 : i32
        %get3A_73 = arith.index_cast %mul3A_72 : i32 to index
        %get3A_74 = tpu.vector_load %arg13[%get3A_73] {strides = array<i32>} : memref<512xi32, #tpu.memory_space<vmem>>, vector<16xi32>,
        %gather3A = tpu.vector_load_idx %arg9[%get3A_70] : memref<10240xf32, #tpu.memory_space<vmem>>[vector<16xi32>], vector<16xf32>,
        %gather3A_75 = tpu.vector_load_idx %arg10[%get3A_74] : memref<10240xf32, #tpu.memory_space<vmem>>[vector<16xi32>], vector<16xf32>,
        %add3A_76 = arith.addf %gather3A, %gather3A_75 : vector<16xf32>
        %lt3A = arith.constant 0.000000e+00 : f32
        %lt3A_77 = vector.broadcast %lt3A : f32 to vector<16xf32>
        %lt3A_78 = arith.cmpf olt, %add3A_76, %lt3A_77 : vector<16xf32>
        %mul3A_79 = arith.constant 2.000000e-01 : f32
        %mul3A_80 = vector.broadcast %mul3A_79 : f32 to vector<16xf32>
        %mul3A_81 = arith.mulf %add3A_76, %mul3A_80 : vector<16xf32>
        %select_n3A = arith.select %lt3A_78, %mul3A_81, %add3A_76 : vector<16xi1>, vector<16xf32>
        %exp3A = math.exp %select_n3A : vector<16xf32>
        %mul3A_82 = arith.constant 16 : i32
        %mul3A_83 = arith.muli %scan3A_67, %mul3A_82 : i32
        %add3A_84 = arith.addi %mul3A_60, %mul3A_83 : i32
        %iota3A = tpu.iota {dimensions = array<i32: 0>} : vector<16xi32>
        %add3A_85 = vector.broadcast %add3A_84 : i32 to vector<16xi32>
        %add3A_86 = arith.addi %add3A_85, %iota3A : vector<16xi32>
        %lt3A_87 = arith.constant 330000 : i32
        %lt3A_88 = vector.broadcast %lt3A_87 : i32 to vector<16xi32>
        %lt3A_89 = arith.cmpi slt, %add3A_86, %lt3A_88 : vector<16xi32>
        %jit3A = arith.constant 0.000000e+00 : f32
        %broadcast_in_dim3A_90 = vector.broadcast %jit3A : f32 to vector<16xf32>
        %select_n3A_91 = arith.select %lt3A_89, %exp3A, %broadcast_in_dim3A_90 : vector<16xi1>, vector<16xf32>
        %gather3A_92 = tpu.vector_load_idx %arg11[%get3A_74] : memref<10240xf32, #tpu.memory_space<vmem>>[vector<16xi32>], vector<16xf32>,
        %add3A_93 = arith.constant 1.000000e-16 : f32
        %add3A_94 = vector.broadcast %add3A_93 : f32 to vector<16xf32>
        %add3A_95 = arith.addf %gather3A_92, %add3A_94 : vector<16xf32>
        %div3A = arith.divf %select_n3A_91, %add3A_95 : vector<16xf32>
        %gather3A_96 = tpu.vector_load_idx %arg14[%get3A_70] : memref<10240xf32, #tpu.memory_space<vmem>>[vector<16xi32>], vector<16xf32>,
        %mul3A_97 = arith.mulf %div3A, %gather3A_96 : vector<16xf32>
        tpu.vector_store_idx %arg18[%get3A_74], %mul3A_97 {add = true} : memref<10240xf32, #tpu.memory_space<vmem>>[vector<16xi32>], vector<16xf32>,
        %gather3A_98 = tpu.vector_load_idx %arg15[%get3A_70] : memref<10240xf32, #tpu.memory_space<vmem>>[vector<16xi32>], vector<16xf32>,
        %mul3A_99 = arith.mulf %div3A, %gather3A_98 : vector<16xf32>
        tpu.vector_store_idx %arg19[%get3A_74], %mul3A_99 {add = true} : memref<10240xf32, #tpu.memory_space<vmem>>[vector<16xi32>], vector<16xf32>,
        %gather3A_100 = tpu.vector_load_idx %arg16[%get3A_70] : memref<10240xf32, #tpu.memory_space<vmem>>[vector<16xi32>], vector<16xf32>,
        %mul3A_101 = arith.mulf %div3A, %gather3A_100 : vector<16xf32>
        tpu.vector_store_idx %arg20[%get3A_74], %mul3A_101 {add = true} : memref<10240xf32, #tpu.memory_space<vmem>>[vector<16xi32>], vector<16xf32>,
        %gather3A_102 = tpu.vector_load_idx %arg17[%get3A_70] : memref<10240xf32, #tpu.memory_space<vmem>>[vector<16xi32>], vector<16xf32>,
        %mul3A_103 = arith.mulf %div3A, %gather3A_102 : vector<16xf32>
        tpu.vector_store_idx %arg21[%get3A_74], %mul3A_103 {add = true} : memref<10240xf32, #tpu.memory_space<vmem>>[vector<16xi32>], vector<16xf32>,
      }
      %scan3A_66 = arith.constant 32 : i32
    }
    %scan3A_33 = arith.constant 672 : i32
    %mul3A_34 = arith.constant 4 : i32
    %mul3A_35 = arith.muli %arg1, %mul3A_34 : i32
    %add3A_36 = arith.constant 0 : i32
    %add3A_37 = arith.addi %mul3A_35, %add3A_36 : i32
    %mul3A_38 = arith.constant 10240 : i32
    %mul3A_39 = arith.muli %add3A_37, %mul3A_38 : i32
    "tpu.region"() ({
      %run_scoped3A = tpu.sem_alloc : memref<!tpu.dma_semaphore, #tpu.memory_space<semaphore_mem>>
      %dma_start3A = tpu.memref_slice %arg8[%mul3A_39] : memref<655360xf32, #tpu.memory_space<hbm>> -> memref<10240xf32, #tpu.memory_space<hbm>>
      %dma_start3A_58 = tpu.memref_slice %arg8[%mul3A_39] : memref<655360xf32, #tpu.memory_space<hbm>> -> memref<10240xf32, #tpu.memory_space<hbm>>
      tpu.enqueue_dma source(%arg18 : memref<10240xf32, #tpu.memory_space<vmem>>) target(%dma_start3A_58 : memref<10240xf32, #tpu.memory_space<hbm>>) target_semaphore(%run_scoped3A : memref<!tpu.dma_semaphore, #tpu.memory_space<semaphore_mem>>)
      %dma_wait3A = tpu.memref_slice %arg8[%mul3A_39] : memref<655360xf32, #tpu.memory_space<hbm>> -> memref<10240xf32, #tpu.memory_space<hbm>>
      %dma_wait3A_59 = tpu.memref_slice %arg8[%mul3A_39] : memref<655360xf32, #tpu.memory_space<hbm>> -> memref<10240xf32, #tpu.memory_space<hbm>>
      tpu.wait_dma2 semaphore(%run_scoped3A : memref<!tpu.dma_semaphore, #tpu.memory_space<semaphore_mem>>) src(%arg18 : memref<10240xf32, #tpu.memory_space<vmem>>) dst(%dma_wait3A_59 : memref<10240xf32, #tpu.memory_space<hbm>>)
      tpu.yield
    }) : () -> ()
    %mul3A_40 = arith.constant 4 : i32
    %mul3A_41 = arith.muli %arg1, %mul3A_40 : i32
    %add3A_42 = arith.constant 1 : i32
    %add3A_43 = arith.addi %mul3A_41, %add3A_42 : i32
    %mul3A_44 = arith.constant 10240 : i32
    %mul3A_45 = arith.muli %add3A_43, %mul3A_44 : i32
    "tpu.region"() ({
      %run_scoped3A = tpu.sem_alloc : memref<!tpu.dma_semaphore, #tpu.memory_space<semaphore_mem>>
      %dma_start3A = tpu.memref_slice %arg8[%mul3A_45] : memref<655360xf32, #tpu.memory_space<hbm>> -> memref<10240xf32, #tpu.memory_space<hbm>>
      %dma_start3A_58 = tpu.memref_slice %arg8[%mul3A_45] : memref<655360xf32, #tpu.memory_space<hbm>> -> memref<10240xf32, #tpu.memory_space<hbm>>
      tpu.enqueue_dma source(%arg19 : memref<10240xf32, #tpu.memory_space<vmem>>) target(%dma_start3A_58 : memref<10240xf32, #tpu.memory_space<hbm>>) target_semaphore(%run_scoped3A : memref<!tpu.dma_semaphore, #tpu.memory_space<semaphore_mem>>)
      %dma_wait3A = tpu.memref_slice %arg8[%mul3A_45] : memref<655360xf32, #tpu.memory_space<hbm>> -> memref<10240xf32, #tpu.memory_space<hbm>>
      %dma_wait3A_59 = tpu.memref_slice %arg8[%mul3A_45] : memref<655360xf32, #tpu.memory_space<hbm>> -> memref<10240xf32, #tpu.memory_space<hbm>>
      tpu.wait_dma2 semaphore(%run_scoped3A : memref<!tpu.dma_semaphore, #tpu.memory_space<semaphore_mem>>) src(%arg19 : memref<10240xf32, #tpu.memory_space<vmem>>) dst(%dma_wait3A_59 : memref<10240xf32, #tpu.memory_space<hbm>>)
      tpu.yield
    }) : () -> ()
    %mul3A_46 = arith.constant 4 : i32
    %mul3A_47 = arith.muli %arg1, %mul3A_46 : i32
    %add3A_48 = arith.constant 2 : i32
    %add3A_49 = arith.addi %mul3A_47, %add3A_48 : i32
    %mul3A_50 = arith.constant 10240 : i32
    %mul3A_51 = arith.muli %add3A_49, %mul3A_50 : i32
    "tpu.region"() ({
      %run_scoped3A = tpu.sem_alloc : memref<!tpu.dma_semaphore, #tpu.memory_space<semaphore_mem>>
      %dma_start3A = tpu.memref_slice %arg8[%mul3A_51] : memref<655360xf32, #tpu.memory_space<hbm>> -> memref<10240xf32, #tpu.memory_space<hbm>>
      %dma_start3A_58 = tpu.memref_slice %arg8[%mul3A_51] : memref<655360xf32, #tpu.memory_space<hbm>> -> memref<10240xf32, #tpu.memory_space<hbm>>
      tpu.enqueue_dma source(%arg20 : memref<10240xf32, #tpu.memory_space<vmem>>) target(%dma_start3A_58 : memref<10240xf32, #tpu.memory_space<hbm>>) target_semaphore(%run_scoped3A : memref<!tpu.dma_semaphore, #tpu.memory_space<semaphore_mem>>)
      %dma_wait3A = tpu.memref_slice %arg8[%mul3A_51] : memref<655360xf32, #tpu.memory_space<hbm>> -> memref<10240xf32, #tpu.memory_space<hbm>>
      %dma_wait3A_59 = tpu.memref_slice %arg8[%mul3A_51] : memref<655360xf32, #tpu.memory_space<hbm>> -> memref<10240xf32, #tpu.memory_space<hbm>>
      tpu.wait_dma2 semaphore(%run_scoped3A : memref<!tpu.dma_semaphore, #tpu.memory_space<semaphore_mem>>) src(%arg20 : memref<10240xf32, #tpu.memory_space<vmem>>) dst(%dma_wait3A_59 : memref<10240xf32, #tpu.memory_space<hbm>>)
      tpu.yield
    }) : () -> ()
    %mul3A_52 = arith.constant 4 : i32
    %mul3A_53 = arith.muli %arg1, %mul3A_52 : i32
    %add3A_54 = arith.constant 3 : i32
    %add3A_55 = arith.addi %mul3A_53, %add3A_54 : i32
    %mul3A_56 = arith.constant 10240 : i32
    %mul3A_57 = arith.muli %add3A_55, %mul3A_56 : i32
    "tpu.region"() ({
      %run_scoped3A = tpu.sem_alloc : memref<!tpu.dma_semaphore, #tpu.memory_space<semaphore_mem>>
      %dma_start3A = tpu.memref_slice %arg8[%mul3A_57] : memref<655360xf32, #tpu.memory_space<hbm>> -> memref<10240xf32, #tpu.memory_space<hbm>>
      %dma_start3A_58 = tpu.memref_slice %arg8[%mul3A_57] : memref<655360xf32, #tpu.memory_space<hbm>> -> memref<10240xf32, #tpu.memory_space<hbm>>
      tpu.enqueue_dma source(%arg21 : memref<10240xf32, #tpu.memory_space<vmem>>) target(%dma_start3A_58 : memref<10240xf32, #tpu.memory_space<hbm>>) target_semaphore(%run_scoped3A : memref<!tpu.dma_semaphore, #tpu.memory_space<semaphore_mem>>)
      %dma_wait3A = tpu.memref_slice %arg8[%mul3A_57] : memref<655360xf32, #tpu.memory_space<hbm>> -> memref<10240xf32, #tpu.memory_space<hbm>>
      %dma_wait3A_59 = tpu.memref_slice %arg8[%mul3A_57] : memref<655360xf32, #tpu.memory_space<hbm>> -> memref<10240xf32, #tpu.memory_space<hbm>>
      tpu.wait_dma2 semaphore(%run_scoped3A : memref<!tpu.dma_semaphore, #tpu.memory_space<semaphore_mem>>) src(%arg21 : memref<10240xf32, #tpu.memory_space<vmem>>) dst(%dma_wait3A_59 : memref<10240xf32, #tpu.memory_space<hbm>>)
      tpu.yield
    }) : () -> ()
    return
  }
}

#map = affine_map<(d0, d1) -> (0)>
module attributes {stable_mosaic.version = 14 : i64} {
  func.func @_edge_scalar(%arg0: i32, %arg1: i32, %arg2: memref<344064xi32, #tpu.memory_space<hbm>>, %arg3: memref<344064xi32, #tpu.memory_space<hbm>>, %arg4: memref<10240xf32, #tpu.memory_space<hbm>>, %arg5: memref<10240xf32, #tpu.memory_space<hbm>>, %arg6: memref<163840xf32, #tpu.memory_space<hbm>>, %arg7: memref<10240xf32, #tpu.memory_space<vmem>>, %arg8: memref<10240xf32, #tpu.memory_space<vmem>>, %arg9: memref<10240xf32, #tpu.memory_space<vmem>>, %arg10: memref<512xi32, #tpu.memory_space<vmem>>, %arg11: memref<512xi32, #tpu.memory_space<vmem>>) attributes {dimension_semantics = [#tpu.dimension_semantics<core_parallel>, #tpu.dimension_semantics<subcore_parallel>], iteration_bounds = array<i64: 1, 16>, scalar_prefetch = 0 : i64, scratch_operands = 5 : i64, tpu.core_type = #tpu.core_type<sc_vector_subcore>, window_params = [{transform_indices = #map}, {transform_indices = #map}, {transform_indices = #map}, {transform_indices = #map}, {transform_indices = #map}]} {
    %mul3A = arith.constant 21504 : i32
    %mul3A_0 = arith.muli %arg1, %mul3A : i32
    "tpu.region"() ({
      %run_scoped3A = tpu.sem_alloc : memref<!tpu.dma_semaphore, #tpu.memory_space<semaphore_mem>>
      tpu.enqueue_dma source(%arg4 : memref<10240xf32, #tpu.memory_space<hbm>>) target(%arg7 : memref<10240xf32, #tpu.memory_space<vmem>>) target_semaphore(%run_scoped3A : memref<!tpu.dma_semaphore, #tpu.memory_space<semaphore_mem>>)
      tpu.wait_dma2 semaphore(%run_scoped3A : memref<!tpu.dma_semaphore, #tpu.memory_space<semaphore_mem>>) src(%arg4 : memref<10240xf32, #tpu.memory_space<hbm>>) dst(%arg7 : memref<10240xf32, #tpu.memory_space<vmem>>)
      tpu.yield
    }) : () -> ()
    "tpu.region"() ({
      %run_scoped3A = tpu.sem_alloc : memref<!tpu.dma_semaphore, #tpu.memory_space<semaphore_mem>>
      tpu.enqueue_dma source(%arg5 : memref<10240xf32, #tpu.memory_space<hbm>>) target(%arg8 : memref<10240xf32, #tpu.memory_space<vmem>>) target_semaphore(%run_scoped3A : memref<!tpu.dma_semaphore, #tpu.memory_space<semaphore_mem>>)
      tpu.wait_dma2 semaphore(%run_scoped3A : memref<!tpu.dma_semaphore, #tpu.memory_space<semaphore_mem>>) src(%arg5 : memref<10240xf32, #tpu.memory_space<hbm>>) dst(%arg8 : memref<10240xf32, #tpu.memory_space<vmem>>)
      tpu.yield
    }) : () -> ()
    %broadcast_in_dim3A = arith.constant 0.000000e+00 : f32
    %broadcast_in_dim3A_1 = vector.broadcast %broadcast_in_dim3A : f32 to vector<16xf32>
    %scan3A = arith.constant 0 : i32
    %scan3A_2 = arith.constant 0 : i32
    %scan3A_3 = arith.constant 640 : i32
    %scan3A_4 = arith.addi %scan3A_2, %scan3A_3 : i32
    %scan3A_5 = arith.constant 1 : i32
    scf.for %scan3A_15 = %scan3A_2 to %scan3A_4 step %scan3A_5  : i32 {
      %mul3A_16 = arith.constant 16 : i32
      %mul3A_17 = arith.muli %scan3A_15, %mul3A_16 : i32
      %swap3A = arith.index_cast %mul3A_17 : i32 to index
      %swap3A_18 = tpu.vector_load %arg9[%swap3A] {strides = array<i32>} : memref<10240xf32, #tpu.memory_space<vmem>>, vector<16xf32>,
      tpu.vector_store %arg9[%swap3A], %broadcast_in_dim3A_1 {strides = array<i32>} : memref<10240xf32, #tpu.memory_space<vmem>>, vector<16xf32>,
    }
    %scan3A_6 = arith.constant 640 : i32
    %scan3A_7 = arith.constant 0 : i32
    %scan3A_8 = arith.constant 0 : i32
    %scan3A_9 = arith.constant 42 : i32
    %scan3A_10 = arith.addi %scan3A_8, %scan3A_9 : i32
    %scan3A_11 = arith.constant 1 : i32
    scf.for %scan3A_15 = %scan3A_8 to %scan3A_10 step %scan3A_11  : i32 {
      %mul3A_16 = arith.constant 512 : i32
      %mul3A_17 = arith.muli %scan3A_15, %mul3A_16 : i32
      %add3A = arith.addi %mul3A_0, %mul3A_17 : i32
      "tpu.region"() ({
        %run_scoped3A = tpu.sem_alloc : memref<!tpu.dma_semaphore, #tpu.memory_space<semaphore_mem>>
        %dma_start3A = tpu.memref_slice %arg2[%add3A] : memref<344064xi32, #tpu.memory_space<hbm>> -> memref<512xi32, #tpu.memory_space<hbm>>
        %dma_start3A_24 = tpu.memref_slice %arg2[%add3A] : memref<344064xi32, #tpu.memory_space<hbm>> -> memref<512xi32, #tpu.memory_space<hbm>>
        tpu.enqueue_dma source(%dma_start3A_24 : memref<512xi32, #tpu.memory_space<hbm>>) target(%arg10 : memref<512xi32, #tpu.memory_space<vmem>>) target_semaphore(%run_scoped3A : memref<!tpu.dma_semaphore, #tpu.memory_space<semaphore_mem>>)
        %dma_wait3A = tpu.memref_slice %arg2[%add3A] : memref<344064xi32, #tpu.memory_space<hbm>> -> memref<512xi32, #tpu.memory_space<hbm>>
        %dma_wait3A_25 = tpu.memref_slice %arg2[%add3A] : memref<344064xi32, #tpu.memory_space<hbm>> -> memref<512xi32, #tpu.memory_space<hbm>>
        tpu.wait_dma2 semaphore(%run_scoped3A : memref<!tpu.dma_semaphore, #tpu.memory_space<semaphore_mem>>) src(%dma_wait3A_25 : memref<512xi32, #tpu.memory_space<hbm>>) dst(%arg10 : memref<512xi32, #tpu.memory_space<vmem>>)
        tpu.yield
      }) : () -> ()
      "tpu.region"() ({
        %run_scoped3A = tpu.sem_alloc : memref<!tpu.dma_semaphore, #tpu.memory_space<semaphore_mem>>
        %dma_start3A = tpu.memref_slice %arg3[%add3A] : memref<344064xi32, #tpu.memory_space<hbm>> -> memref<512xi32, #tpu.memory_space<hbm>>
        %dma_start3A_24 = tpu.memref_slice %arg3[%add3A] : memref<344064xi32, #tpu.memory_space<hbm>> -> memref<512xi32, #tpu.memory_space<hbm>>
        tpu.enqueue_dma source(%dma_start3A_24 : memref<512xi32, #tpu.memory_space<hbm>>) target(%arg11 : memref<512xi32, #tpu.memory_space<vmem>>) target_semaphore(%run_scoped3A : memref<!tpu.dma_semaphore, #tpu.memory_space<semaphore_mem>>)
        %dma_wait3A = tpu.memref_slice %arg3[%add3A] : memref<344064xi32, #tpu.memory_space<hbm>> -> memref<512xi32, #tpu.memory_space<hbm>>
        %dma_wait3A_25 = tpu.memref_slice %arg3[%add3A] : memref<344064xi32, #tpu.memory_space<hbm>> -> memref<512xi32, #tpu.memory_space<hbm>>
        tpu.wait_dma2 semaphore(%run_scoped3A : memref<!tpu.dma_semaphore, #tpu.memory_space<semaphore_mem>>) src(%dma_wait3A_25 : memref<512xi32, #tpu.memory_space<hbm>>) dst(%arg11 : memref<512xi32, #tpu.memory_space<vmem>>)
        tpu.yield
      }) : () -> ()
      %scan3A_18 = arith.constant 0 : i32
      %scan3A_19 = arith.constant 0 : i32
      %scan3A_20 = arith.constant 32 : i32
      %scan3A_21 = arith.addi %scan3A_19, %scan3A_20 : i32
      %scan3A_22 = arith.constant 1 : i32
      scf.for %scan3A_24 = %scan3A_19 to %scan3A_21 step %scan3A_22  : i32 {
        %mul3A_25 = arith.constant 16 : i32
        %mul3A_26 = arith.muli %scan3A_24, %mul3A_25 : i32
        %get3A = arith.index_cast %mul3A_26 : i32 to index
        %get3A_27 = tpu.vector_load %arg10[%get3A] {strides = array<i32>} : memref<512xi32, #tpu.memory_space<vmem>>, vector<16xi32>,
        %mul3A_28 = arith.constant 16 : i32
        %mul3A_29 = arith.muli %scan3A_24, %mul3A_28 : i32
        %get3A_30 = arith.index_cast %mul3A_29 : i32 to index
        %get3A_31 = tpu.vector_load %arg11[%get3A_30] {strides = array<i32>} : memref<512xi32, #tpu.memory_space<vmem>>, vector<16xi32>,
        %gather3A = tpu.vector_load_idx %arg7[%get3A_27] : memref<10240xf32, #tpu.memory_space<vmem>>[vector<16xi32>], vector<16xf32>,
        %gather3A_32 = tpu.vector_load_idx %arg8[%get3A_31] : memref<10240xf32, #tpu.memory_space<vmem>>[vector<16xi32>], vector<16xf32>,
        %add3A_33 = arith.addf %gather3A, %gather3A_32 : vector<16xf32>
        %lt3A = arith.constant 0.000000e+00 : f32
        %lt3A_34 = vector.broadcast %lt3A : f32 to vector<16xf32>
        %lt3A_35 = arith.cmpf olt, %add3A_33, %lt3A_34 : vector<16xf32>
        %mul3A_36 = arith.constant 2.000000e-01 : f32
        %mul3A_37 = vector.broadcast %mul3A_36 : f32 to vector<16xf32>
        %mul3A_38 = arith.mulf %add3A_33, %mul3A_37 : vector<16xf32>
        %select_n3A = arith.select %lt3A_35, %mul3A_38, %add3A_33 : vector<16xi1>, vector<16xf32>
        %exp3A = math.exp %select_n3A : vector<16xf32>
        %mul3A_39 = arith.constant 16 : i32
        %mul3A_40 = arith.muli %scan3A_24, %mul3A_39 : i32
        %add3A_41 = arith.addi %add3A, %mul3A_40 : i32
        %iota3A = tpu.iota {dimensions = array<i32: 0>} : vector<16xi32>
        %add3A_42 = vector.broadcast %add3A_41 : i32 to vector<16xi32>
        %add3A_43 = arith.addi %add3A_42, %iota3A : vector<16xi32>
        %lt3A_44 = arith.constant 330000 : i32
        %lt3A_45 = vector.broadcast %lt3A_44 : i32 to vector<16xi32>
        %lt3A_46 = arith.cmpi slt, %add3A_43, %lt3A_45 : vector<16xi32>
        %jit3A = arith.constant 0.000000e+00 : f32
        %broadcast_in_dim3A_47 = vector.broadcast %jit3A : f32 to vector<16xf32>
        %select_n3A_48 = arith.select %lt3A_46, %exp3A, %broadcast_in_dim3A_47 : vector<16xi1>, vector<16xf32>
        tpu.vector_store_idx %arg9[%get3A_31], %select_n3A_48 {add = true} : memref<10240xf32, #tpu.memory_space<vmem>>[vector<16xi32>], vector<16xf32>,
      }
      %scan3A_23 = arith.constant 32 : i32
    }
    %scan3A_12 = arith.constant 42 : i32
    %mul3A_13 = arith.constant 10240 : i32
    %mul3A_14 = arith.muli %arg1, %mul3A_13 : i32
    "tpu.region"() ({
      %run_scoped3A = tpu.sem_alloc : memref<!tpu.dma_semaphore, #tpu.memory_space<semaphore_mem>>
      %dma_start3A = tpu.memref_slice %arg6[%mul3A_14] : memref<163840xf32, #tpu.memory_space<hbm>> -> memref<10240xf32, #tpu.memory_space<hbm>>
      %dma_start3A_15 = tpu.memref_slice %arg6[%mul3A_14] : memref<163840xf32, #tpu.memory_space<hbm>> -> memref<10240xf32, #tpu.memory_space<hbm>>
      tpu.enqueue_dma source(%arg9 : memref<10240xf32, #tpu.memory_space<vmem>>) target(%dma_start3A_15 : memref<10240xf32, #tpu.memory_space<hbm>>) target_semaphore(%run_scoped3A : memref<!tpu.dma_semaphore, #tpu.memory_space<semaphore_mem>>)
      %dma_wait3A = tpu.memref_slice %arg6[%mul3A_14] : memref<163840xf32, #tpu.memory_space<hbm>> -> memref<10240xf32, #tpu.memory_space<hbm>>
      %dma_wait3A_16 = tpu.memref_slice %arg6[%mul3A_14] : memref<163840xf32, #tpu.memory_space<hbm>> -> memref<10240xf32, #tpu.memory_space<hbm>>
      tpu.wait_dma2 semaphore(%run_scoped3A : memref<!tpu.dma_semaphore, #tpu.memory_space<semaphore_mem>>) src(%arg9 : memref<10240xf32, #tpu.memory_space<vmem>>) dst(%dma_wait3A_16 : memref<10240xf32, #tpu.memory_space<hbm>>)
      tpu.yield
    }) : () -> ()
    return
  }
}

#map = affine_map<(d0, d1) -> (0)>
module attributes {stable_mosaic.version = 14 : i64} {
  func.func @k(%arg0: i32, %arg1: i32, %arg2: memref<344064xi32, #tpu.memory_space<hbm>>, %arg3: memref<344064xi32, #tpu.memory_space<hbm>>, %arg4: memref<10240xf32, #tpu.memory_space<hbm>>, %arg5: memref<10240xf32, #tpu.memory_space<hbm>>, %arg6: memref<10240xf32, #tpu.memory_space<hbm>>, %arg7: memref<327680xf32, #tpu.memory_space<hbm>>, %arg8: memref<327680xf32, #tpu.memory_space<hbm>>, %arg9: memref<10240xf32, #tpu.memory_space<vmem>>, %arg10: memref<10240xf32, #tpu.memory_space<vmem>>, %arg11: memref<10240xf32, #tpu.memory_space<vmem>>, %arg12: memref<512xi32, #tpu.memory_space<vmem>>, %arg13: memref<512xi32, #tpu.memory_space<vmem>>, %arg14: memref<10240xf32, #tpu.memory_space<vmem>>, %arg15: memref<10240xf32, #tpu.memory_space<vmem>>, %arg16: memref<10240xf32, #tpu.memory_space<vmem>>, %arg17: memref<10240xf32, #tpu.memory_space<vmem>>) attributes {dimension_semantics = [#tpu.dimension_semantics<core_parallel>, #tpu.dimension_semantics<subcore_parallel>], iteration_bounds = array<i64: 1, 16>, scalar_prefetch = 0 : i64, scratch_operands = 9 : i64, tpu.core_type = #tpu.core_type<sc_vector_subcore>, window_params = [{transform_indices = #map}, {transform_indices = #map}, {transform_indices = #map}, {transform_indices = #map}, {transform_indices = #map}, {transform_indices = #map}, {transform_indices = #map}]} {
    "tpu.region"() ({
      %run_scoped3A = tpu.sem_alloc : memref<!tpu.dma_semaphore, #tpu.memory_space<semaphore_mem>>
      tpu.enqueue_dma source(%arg4 : memref<10240xf32, #tpu.memory_space<hbm>>) target(%arg9 : memref<10240xf32, #tpu.memory_space<vmem>>) target_semaphore(%run_scoped3A : memref<!tpu.dma_semaphore, #tpu.memory_space<semaphore_mem>>)
      tpu.wait_dma2 semaphore(%run_scoped3A : memref<!tpu.dma_semaphore, #tpu.memory_space<semaphore_mem>>) src(%arg4 : memref<10240xf32, #tpu.memory_space<hbm>>) dst(%arg9 : memref<10240xf32, #tpu.memory_space<vmem>>)
      tpu.yield
    }) : () -> ()
    "tpu.region"() ({
      %run_scoped3A = tpu.sem_alloc : memref<!tpu.dma_semaphore, #tpu.memory_space<semaphore_mem>>
      tpu.enqueue_dma source(%arg5 : memref<10240xf32, #tpu.memory_space<hbm>>) target(%arg10 : memref<10240xf32, #tpu.memory_space<vmem>>) target_semaphore(%run_scoped3A : memref<!tpu.dma_semaphore, #tpu.memory_space<semaphore_mem>>)
      tpu.wait_dma2 semaphore(%run_scoped3A : memref<!tpu.dma_semaphore, #tpu.memory_space<semaphore_mem>>) src(%arg5 : memref<10240xf32, #tpu.memory_space<hbm>>) dst(%arg10 : memref<10240xf32, #tpu.memory_space<vmem>>)
      tpu.yield
    }) : () -> ()
    "tpu.region"() ({
      %run_scoped3A = tpu.sem_alloc : memref<!tpu.dma_semaphore, #tpu.memory_space<semaphore_mem>>
      tpu.enqueue_dma source(%arg6 : memref<10240xf32, #tpu.memory_space<hbm>>) target(%arg11 : memref<10240xf32, #tpu.memory_space<vmem>>) target_semaphore(%run_scoped3A : memref<!tpu.dma_semaphore, #tpu.memory_space<semaphore_mem>>)
      tpu.wait_dma2 semaphore(%run_scoped3A : memref<!tpu.dma_semaphore, #tpu.memory_space<semaphore_mem>>) src(%arg6 : memref<10240xf32, #tpu.memory_space<hbm>>) dst(%arg11 : memref<10240xf32, #tpu.memory_space<vmem>>)
      tpu.yield
    }) : () -> ()
    %mul3A = arith.constant 2 : i32
    %mul3A_0 = arith.muli %arg1, %mul3A : i32
    %add3A = arith.constant 0 : i32
    %add3A_1 = arith.addi %mul3A_0, %add3A : i32
    %mul3A_2 = arith.constant 10240 : i32
    %mul3A_3 = arith.muli %add3A_1, %mul3A_2 : i32
    "tpu.region"() ({
      %run_scoped3A = tpu.sem_alloc : memref<!tpu.dma_semaphore, #tpu.memory_space<semaphore_mem>>
      %dma_start3A = tpu.memref_slice %arg7[%mul3A_3] : memref<327680xf32, #tpu.memory_space<hbm>> -> memref<10240xf32, #tpu.memory_space<hbm>>
      %dma_start3A_34 = tpu.memref_slice %arg7[%mul3A_3] : memref<327680xf32, #tpu.memory_space<hbm>> -> memref<10240xf32, #tpu.memory_space<hbm>>
      tpu.enqueue_dma source(%dma_start3A_34 : memref<10240xf32, #tpu.memory_space<hbm>>) target(%arg14 : memref<10240xf32, #tpu.memory_space<vmem>>) target_semaphore(%run_scoped3A : memref<!tpu.dma_semaphore, #tpu.memory_space<semaphore_mem>>)
      %dma_wait3A = tpu.memref_slice %arg7[%mul3A_3] : memref<327680xf32, #tpu.memory_space<hbm>> -> memref<10240xf32, #tpu.memory_space<hbm>>
      %dma_wait3A_35 = tpu.memref_slice %arg7[%mul3A_3] : memref<327680xf32, #tpu.memory_space<hbm>> -> memref<10240xf32, #tpu.memory_space<hbm>>
      tpu.wait_dma2 semaphore(%run_scoped3A : memref<!tpu.dma_semaphore, #tpu.memory_space<semaphore_mem>>) src(%dma_wait3A_35 : memref<10240xf32, #tpu.memory_space<hbm>>) dst(%arg14 : memref<10240xf32, #tpu.memory_space<vmem>>)
      tpu.yield
    }) : () -> ()
    %mul3A_4 = arith.constant 2 : i32
    %mul3A_5 = arith.muli %arg1, %mul3A_4 : i32
    %add3A_6 = arith.constant 1 : i32
    %add3A_7 = arith.addi %mul3A_5, %add3A_6 : i32
    %mul3A_8 = arith.constant 10240 : i32
    %mul3A_9 = arith.muli %add3A_7, %mul3A_8 : i32
    "tpu.region"() ({
      %run_scoped3A = tpu.sem_alloc : memref<!tpu.dma_semaphore, #tpu.memory_space<semaphore_mem>>
      %dma_start3A = tpu.memref_slice %arg7[%mul3A_9] : memref<327680xf32, #tpu.memory_space<hbm>> -> memref<10240xf32, #tpu.memory_space<hbm>>
      %dma_start3A_34 = tpu.memref_slice %arg7[%mul3A_9] : memref<327680xf32, #tpu.memory_space<hbm>> -> memref<10240xf32, #tpu.memory_space<hbm>>
      tpu.enqueue_dma source(%dma_start3A_34 : memref<10240xf32, #tpu.memory_space<hbm>>) target(%arg15 : memref<10240xf32, #tpu.memory_space<vmem>>) target_semaphore(%run_scoped3A : memref<!tpu.dma_semaphore, #tpu.memory_space<semaphore_mem>>)
      %dma_wait3A = tpu.memref_slice %arg7[%mul3A_9] : memref<327680xf32, #tpu.memory_space<hbm>> -> memref<10240xf32, #tpu.memory_space<hbm>>
      %dma_wait3A_35 = tpu.memref_slice %arg7[%mul3A_9] : memref<327680xf32, #tpu.memory_space<hbm>> -> memref<10240xf32, #tpu.memory_space<hbm>>
      tpu.wait_dma2 semaphore(%run_scoped3A : memref<!tpu.dma_semaphore, #tpu.memory_space<semaphore_mem>>) src(%dma_wait3A_35 : memref<10240xf32, #tpu.memory_space<hbm>>) dst(%arg15 : memref<10240xf32, #tpu.memory_space<vmem>>)
      tpu.yield
    }) : () -> ()
    %broadcast_in_dim3A = arith.constant 0.000000e+00 : f32
    %broadcast_in_dim3A_10 = vector.broadcast %broadcast_in_dim3A : f32 to vector<16xf32>
    %scan3A = arith.constant 0 : i32
    %scan3A_11 = arith.constant 0 : i32
    %scan3A_12 = arith.constant 640 : i32
    %scan3A_13 = arith.addi %scan3A_11, %scan3A_12 : i32
    %scan3A_14 = arith.constant 1 : i32
    scf.for %scan3A_34 = %scan3A_11 to %scan3A_13 step %scan3A_14  : i32 {
      %mul3A_35 = arith.constant 16 : i32
      %mul3A_36 = arith.muli %scan3A_34, %mul3A_35 : i32
      %swap3A = arith.index_cast %mul3A_36 : i32 to index
      %swap3A_37 = tpu.vector_load %arg16[%swap3A] {strides = array<i32>} : memref<10240xf32, #tpu.memory_space<vmem>>, vector<16xf32>,
      tpu.vector_store %arg16[%swap3A], %broadcast_in_dim3A_10 {strides = array<i32>} : memref<10240xf32, #tpu.memory_space<vmem>>, vector<16xf32>,
      %mul3A_38 = arith.constant 16 : i32
      %mul3A_39 = arith.muli %scan3A_34, %mul3A_38 : i32
      %swap3A_40 = arith.index_cast %mul3A_39 : i32 to index
      %swap3A_41 = tpu.vector_load %arg17[%swap3A_40] {strides = array<i32>} : memref<10240xf32, #tpu.memory_space<vmem>>, vector<16xf32>,
      tpu.vector_store %arg17[%swap3A_40], %broadcast_in_dim3A_10 {strides = array<i32>} : memref<10240xf32, #tpu.memory_space<vmem>>, vector<16xf32>,
    }
    %scan3A_15 = arith.constant 640 : i32
    %scan3A_16 = arith.constant 0 : i32
    %scan3A_17 = arith.constant 0 : i32
    %scan3A_18 = arith.constant 672 : i32
    %scan3A_19 = arith.addi %scan3A_17, %scan3A_18 : i32
    %scan3A_20 = arith.constant 1 : i32
    scf.for %scan3A_34 = %scan3A_17 to %scan3A_19 step %scan3A_20  : i32 {
      %mul3A_35 = arith.constant 512 : i32
      %mul3A_36 = arith.muli %scan3A_34, %mul3A_35 : i32
      "tpu.region"() ({
        %run_scoped3A = tpu.sem_alloc : memref<!tpu.dma_semaphore, #tpu.memory_space<semaphore_mem>>
        %dma_start3A = tpu.memref_slice %arg2[%mul3A_36] : memref<344064xi32, #tpu.memory_space<hbm>> -> memref<512xi32, #tpu.memory_space<hbm>>
        %dma_start3A_43 = tpu.memref_slice %arg2[%mul3A_36] : memref<344064xi32, #tpu.memory_space<hbm>> -> memref<512xi32, #tpu.memory_space<hbm>>
        tpu.enqueue_dma source(%dma_start3A_43 : memref<512xi32, #tpu.memory_space<hbm>>) target(%arg12 : memref<512xi32, #tpu.memory_space<vmem>>) target_semaphore(%run_scoped3A : memref<!tpu.dma_semaphore, #tpu.memory_space<semaphore_mem>>)
        %dma_wait3A = tpu.memref_slice %arg2[%mul3A_36] : memref<344064xi32, #tpu.memory_space<hbm>> -> memref<512xi32, #tpu.memory_space<hbm>>
        %dma_wait3A_44 = tpu.memref_slice %arg2[%mul3A_36] : memref<344064xi32, #tpu.memory_space<hbm>> -> memref<512xi32, #tpu.memory_space<hbm>>
        tpu.wait_dma2 semaphore(%run_scoped3A : memref<!tpu.dma_semaphore, #tpu.memory_space<semaphore_mem>>) src(%dma_wait3A_44 : memref<512xi32, #tpu.memory_space<hbm>>) dst(%arg12 : memref<512xi32, #tpu.memory_space<vmem>>)
        tpu.yield
      }) : () -> ()
      "tpu.region"() ({
        %run_scoped3A = tpu.sem_alloc : memref<!tpu.dma_semaphore, #tpu.memory_space<semaphore_mem>>
        %dma_start3A = tpu.memref_slice %arg3[%mul3A_36] : memref<344064xi32, #tpu.memory_space<hbm>> -> memref<512xi32, #tpu.memory_space<hbm>>
        %dma_start3A_43 = tpu.memref_slice %arg3[%mul3A_36] : memref<344064xi32, #tpu.memory_space<hbm>> -> memref<512xi32, #tpu.memory_space<hbm>>
        tpu.enqueue_dma source(%dma_start3A_43 : memref<512xi32, #tpu.memory_space<hbm>>) target(%arg13 : memref<512xi32, #tpu.memory_space<vmem>>) target_semaphore(%run_scoped3A : memref<!tpu.dma_semaphore, #tpu.memory_space<semaphore_mem>>)
        %dma_wait3A = tpu.memref_slice %arg3[%mul3A_36] : memref<344064xi32, #tpu.memory_space<hbm>> -> memref<512xi32, #tpu.memory_space<hbm>>
        %dma_wait3A_44 = tpu.memref_slice %arg3[%mul3A_36] : memref<344064xi32, #tpu.memory_space<hbm>> -> memref<512xi32, #tpu.memory_space<hbm>>
        tpu.wait_dma2 semaphore(%run_scoped3A : memref<!tpu.dma_semaphore, #tpu.memory_space<semaphore_mem>>) src(%dma_wait3A_44 : memref<512xi32, #tpu.memory_space<hbm>>) dst(%arg13 : memref<512xi32, #tpu.memory_space<vmem>>)
        tpu.yield
      }) : () -> ()
      %scan3A_37 = arith.constant 0 : i32
      %scan3A_38 = arith.constant 0 : i32
      %scan3A_39 = arith.constant 32 : i32
      %scan3A_40 = arith.addi %scan3A_38, %scan3A_39 : i32
      %scan3A_41 = arith.constant 1 : i32
      scf.for %scan3A_43 = %scan3A_38 to %scan3A_40 step %scan3A_41  : i32 {
        %mul3A_44 = arith.constant 16 : i32
        %mul3A_45 = arith.muli %scan3A_43, %mul3A_44 : i32
        %get3A = arith.index_cast %mul3A_45 : i32 to index
        %get3A_46 = tpu.vector_load %arg12[%get3A] {strides = array<i32>} : memref<512xi32, #tpu.memory_space<vmem>>, vector<16xi32>,
        %mul3A_47 = arith.constant 16 : i32
        %mul3A_48 = arith.muli %scan3A_43, %mul3A_47 : i32
        %get3A_49 = arith.index_cast %mul3A_48 : i32 to index
        %get3A_50 = tpu.vector_load %arg13[%get3A_49] {strides = array<i32>} : memref<512xi32, #tpu.memory_space<vmem>>, vector<16xi32>,
        %gather3A = tpu.vector_load_idx %arg9[%get3A_46] : memref<10240xf32, #tpu.memory_space<vmem>>[vector<16xi32>], vector<16xf32>,
        %gather3A_51 = tpu.vector_load_idx %arg10[%get3A_50] : memref<10240xf32, #tpu.memory_space<vmem>>[vector<16xi32>], vector<16xf32>,
        %add3A_52 = arith.addf %gather3A, %gather3A_51 : vector<16xf32>
        %lt3A = arith.constant 0.000000e+00 : f32
        %lt3A_53 = vector.broadcast %lt3A : f32 to vector<16xf32>
        %lt3A_54 = arith.cmpf olt, %add3A_52, %lt3A_53 : vector<16xf32>
        %mul3A_55 = arith.constant 2.000000e-01 : f32
        %mul3A_56 = vector.broadcast %mul3A_55 : f32 to vector<16xf32>
        %mul3A_57 = arith.mulf %add3A_52, %mul3A_56 : vector<16xf32>
        %select_n3A = arith.select %lt3A_54, %mul3A_57, %add3A_52 : vector<16xi1>, vector<16xf32>
        %exp3A = math.exp %select_n3A : vector<16xf32>
        %mul3A_58 = arith.constant 16 : i32
        %mul3A_59 = arith.muli %scan3A_43, %mul3A_58 : i32
        %add3A_60 = arith.addi %mul3A_36, %mul3A_59 : i32
        %iota3A = tpu.iota {dimensions = array<i32: 0>} : vector<16xi32>
        %add3A_61 = vector.broadcast %add3A_60 : i32 to vector<16xi32>
        %add3A_62 = arith.addi %add3A_61, %iota3A : vector<16xi32>
        %lt3A_63 = arith.constant 330000 : i32
        %lt3A_64 = vector.broadcast %lt3A_63 : i32 to vector<16xi32>
        %lt3A_65 = arith.cmpi slt, %add3A_62, %lt3A_64 : vector<16xi32>
        %jit3A = arith.constant 0.000000e+00 : f32
        %broadcast_in_dim3A_66 = vector.broadcast %jit3A : f32 to vector<16xf32>
        %select_n3A_67 = arith.select %lt3A_65, %exp3A, %broadcast_in_dim3A_66 : vector<16xi1>, vector<16xf32>
        %gather3A_68 = tpu.vector_load_idx %arg11[%get3A_50] : memref<10240xf32, #tpu.memory_space<vmem>>[vector<16xi32>], vector<16xf32>,
        %add3A_69 = arith.constant 1.000000e-16 : f32
        %add3A_70 = vector.broadcast %add3A_69 : f32 to vector<16xf32>
        %add3A_71 = arith.addf %gather3A_68, %add3A_70 : vector<16xf32>
        %div3A = arith.divf %select_n3A_67, %add3A_71 : vector<16xf32>
        %gather3A_72 = tpu.vector_load_idx %arg14[%get3A_46] : memref<10240xf32, #tpu.memory_space<vmem>>[vector<16xi32>], vector<16xf32>,
        %mul3A_73 = arith.mulf %div3A, %gather3A_72 : vector<16xf32>
        tpu.vector_store_idx %arg16[%get3A_50], %mul3A_73 {add = true} : memref<10240xf32, #tpu.memory_space<vmem>>[vector<16xi32>], vector<16xf32>,
        %gather3A_74 = tpu.vector_load_idx %arg15[%get3A_46] : memref<10240xf32, #tpu.memory_space<vmem>>[vector<16xi32>], vector<16xf32>,
        %mul3A_75 = arith.mulf %div3A, %gather3A_74 : vector<16xf32>
        tpu.vector_store_idx %arg17[%get3A_50], %mul3A_75 {add = true} : memref<10240xf32, #tpu.memory_space<vmem>>[vector<16xi32>], vector<16xf32>,
      }
      %scan3A_42 = arith.constant 32 : i32
    }
    %scan3A_21 = arith.constant 672 : i32
    %mul3A_22 = arith.constant 2 : i32
    %mul3A_23 = arith.muli %arg1, %mul3A_22 : i32
    %add3A_24 = arith.constant 0 : i32
    %add3A_25 = arith.addi %mul3A_23, %add3A_24 : i32
    %mul3A_26 = arith.constant 10240 : i32
    %mul3A_27 = arith.muli %add3A_25, %mul3A_26 : i32
    "tpu.region"() ({
      %run_scoped3A = tpu.sem_alloc : memref<!tpu.dma_semaphore, #tpu.memory_space<semaphore_mem>>
      %dma_start3A = tpu.memref_slice %arg8[%mul3A_27] : memref<327680xf32, #tpu.memory_space<hbm>> -> memref<10240xf32, #tpu.memory_space<hbm>>
      %dma_start3A_34 = tpu.memref_slice %arg8[%mul3A_27] : memref<327680xf32, #tpu.memory_space<hbm>> -> memref<10240xf32, #tpu.memory_space<hbm>>
      tpu.enqueue_dma source(%arg16 : memref<10240xf32, #tpu.memory_space<vmem>>) target(%dma_start3A_34 : memref<10240xf32, #tpu.memory_space<hbm>>) target_semaphore(%run_scoped3A : memref<!tpu.dma_semaphore, #tpu.memory_space<semaphore_mem>>)
      %dma_wait3A = tpu.memref_slice %arg8[%mul3A_27] : memref<327680xf32, #tpu.memory_space<hbm>> -> memref<10240xf32, #tpu.memory_space<hbm>>
      %dma_wait3A_35 = tpu.memref_slice %arg8[%mul3A_27] : memref<327680xf32, #tpu.memory_space<hbm>> -> memref<10240xf32, #tpu.memory_space<hbm>>
      tpu.wait_dma2 semaphore(%run_scoped3A : memref<!tpu.dma_semaphore, #tpu.memory_space<semaphore_mem>>) src(%arg16 : memref<10240xf32, #tpu.memory_space<vmem>>) dst(%dma_wait3A_35 : memref<10240xf32, #tpu.memory_space<hbm>>)
      tpu.yield
    }) : () -> ()
    %mul3A_28 = arith.constant 2 : i32
    %mul3A_29 = arith.muli %arg1, %mul3A_28 : i32
    %add3A_30 = arith.constant 1 : i32
    %add3A_31 = arith.addi %mul3A_29, %add3A_30 : i32
    %mul3A_32 = arith.constant 10240 : i32
    %mul3A_33 = arith.muli %add3A_31, %mul3A_32 : i32
    "tpu.region"() ({
      %run_scoped3A = tpu.sem_alloc : memref<!tpu.dma_semaphore, #tpu.memory_space<semaphore_mem>>
      %dma_start3A = tpu.memref_slice %arg8[%mul3A_33] : memref<327680xf32, #tpu.memory_space<hbm>> -> memref<10240xf32, #tpu.memory_space<hbm>>
      %dma_start3A_34 = tpu.memref_slice %arg8[%mul3A_33] : memref<327680xf32, #tpu.memory_space<hbm>> -> memref<10240xf32, #tpu.memory_space<hbm>>
      tpu.enqueue_dma source(%arg17 : memref<10240xf32, #tpu.memory_space<vmem>>) target(%dma_start3A_34 : memref<10240xf32, #tpu.memory_space<hbm>>) target_semaphore(%run_scoped3A : memref<!tpu.dma_semaphore, #tpu.memory_space<semaphore_mem>>)
      %dma_wait3A = tpu.memref_slice %arg8[%mul3A_33] : memref<327680xf32, #tpu.memory_space<hbm>> -> memref<10240xf32, #tpu.memory_space<hbm>>
      %dma_wait3A_35 = tpu.memref_slice %arg8[%mul3A_33] : memref<327680xf32, #tpu.memory_space<hbm>> -> memref<10240xf32, #tpu.memory_space<hbm>>
      tpu.wait_dma2 semaphore(%run_scoped3A : memref<!tpu.dma_semaphore, #tpu.memory_space<semaphore_mem>>) src(%arg17 : memref<10240xf32, #tpu.memory_space<vmem>>) dst(%dma_wait3A_35 : memref<10240xf32, #tpu.memory_space<hbm>>)
      tpu.yield
    }) : () -> ()
    return
  }
}

module attributes {stable_mosaic.version = 14 : i64} {
  func.func @_proj_body(%arg0: memref<10240x128xf32, #tpu.memory_space<vmem>>, %arg1: memref<64x128xf32, #tpu.memory_space<vmem>>, %arg2: memref<1x64xf32, #tpu.memory_space<vmem>>, %arg3: memref<1x64xf32, #tpu.memory_space<vmem>>, %arg4: memref<64x10240xf32, #tpu.memory_space<vmem>>, %arg5: memref<1x10240xf32, #tpu.memory_space<vmem>>, %arg6: memref<1x10240xf32, #tpu.memory_space<vmem>>) attributes {dimension_semantics = [], scalar_prefetch = 0 : i64, scratch_operands = 0 : i64, tpu.core_type = #tpu.core_type<tc>} {
    %get3A = arith.constant 0 : index
    %get3A_0 = arith.constant 0 : index
    %get3A_1 = vector.load %arg1[%get3A, %get3A_0] : memref<64x128xf32, #tpu.memory_space<vmem>>, vector<64x128xf32>
    %get3A_2 = arith.constant 0 : index
    %get3A_3 = arith.constant 0 : index
    %get3A_4 = vector.load %arg0[%get3A_2, %get3A_3] : memref<10240x128xf32, #tpu.memory_space<vmem>>, vector<10240x128xf32>
    %dot_general3A = arith.constant dense<0.000000e+00> : vector<64x10240xf32>
    %dot_general3A_5 = tpu.matmul %get3A_1, %get3A_4, %dot_general3A {dimension_numbers = #tpu.dot_dimension_numbers<[1], [1], [0], [0], [0, 0, 1, 0], [], []>, transpose_lhs_hint = false} : vector<64x128xf32>, vector<10240x128xf32>, vector<64x10240xf32> -> vector<64x10240xf32>
    %swap3A = arith.constant 0 : index
    %swap3A_6 = arith.constant 0 : index
    %swap3A_7 = vector.load %arg4[%swap3A, %swap3A_6] : memref<64x10240xf32, #tpu.memory_space<vmem>>, vector<64x10240xf32>
    tpu.vector_store %arg4[%swap3A, %swap3A_6], %dot_general3A_5 {strides = array<i32>} : memref<64x10240xf32, #tpu.memory_space<vmem>>, vector<64x10240xf32>,
    %get3A_8 = arith.constant 0 : index
    %get3A_9 = arith.constant 0 : index
    %get3A_10 = vector.load %arg2[%get3A_8, %get3A_9] : memref<1x64xf32, #tpu.memory_space<vmem>>, vector<1x64xf32>
    %dot_general3A_11 = arith.constant dense<0.000000e+00> : vector<1x10240xf32>
    %dot_general3A_12 = tpu.matmul %get3A_10, %dot_general3A_5, %dot_general3A_11 {dimension_numbers = #tpu.dot_dimension_numbers<[1], [0], [0], [1], [0, 0, 1, 1], [], []>, transpose_lhs_hint = false} : vector<1x64xf32>, vector<64x10240xf32>, vector<1x10240xf32> -> vector<1x10240xf32>
    %swap3A_13 = arith.constant 0 : index
    %swap3A_14 = arith.constant 0 : index
    %swap3A_15 = vector.load %arg5[%swap3A_13, %swap3A_14] : memref<1x10240xf32, #tpu.memory_space<vmem>>, vector<1x10240xf32>
    tpu.vector_store %arg5[%swap3A_13, %swap3A_14], %dot_general3A_12 {strides = array<i32>} : memref<1x10240xf32, #tpu.memory_space<vmem>>, vector<1x10240xf32>,
    %get3A_16 = arith.constant 0 : index
    %get3A_17 = arith.constant 0 : index
    %get3A_18 = vector.load %arg3[%get3A_16, %get3A_17] : memref<1x64xf32, #tpu.memory_space<vmem>>, vector<1x64xf32>
    %dot_general3A_19 = arith.constant dense<0.000000e+00> : vector<1x10240xf32>
    %dot_general3A_20 = tpu.matmul %get3A_18, %dot_general3A_5, %dot_general3A_19 {dimension_numbers = #tpu.dot_dimension_numbers<[1], [0], [0], [1], [0, 0, 1, 1], [], []>, transpose_lhs_hint = false} : vector<1x64xf32>, vector<64x10240xf32>, vector<1x10240xf32> -> vector<1x10240xf32>
    %swap3A_21 = arith.constant 0 : index
    %swap3A_22 = arith.constant 0 : index
    %swap3A_23 = vector.load %arg6[%swap3A_21, %swap3A_22] : memref<1x10240xf32, #tpu.memory_space<vmem>>, vector<1x10240xf32>
    tpu.vector_store %arg6[%swap3A_21, %swap3A_22], %dot_general3A_20 {strides = array<i32>} : memref<1x10240xf32, #tpu.memory_space<vmem>>, vector<1x10240xf32>,
    return
  }
}

module attributes {stable_mosaic.version = 14 : i64} {
  func.func @_den_sum_body(%arg0: memref<16x10240xf32, #tpu.memory_space<vmem>>, %arg1: memref<1x10240xf32, #tpu.memory_space<vmem>>) attributes {dimension_semantics = [], scalar_prefetch = 0 : i64, scratch_operands = 0 : i64, tpu.core_type = #tpu.core_type<tc>} {
    %get3A = arith.constant 0 : index
    %get3A_0 = arith.constant 0 : index
    %get3A_1 = vector.load %arg0[%get3A, %get3A_0] : memref<16x10240xf32, #tpu.memory_space<vmem>>, vector<16x10240xf32>
    %reduce_sum3A = arith.constant dense<0.000000e+00> : vector<10240xf32>
    %reduce_sum3A_2 = vector.multi_reduction <add>, %get3A_1, %reduce_sum3A [0] : vector<16x10240xf32> to vector<10240xf32>
    %broadcast_in_dim3A = vector.shape_cast %reduce_sum3A_2 : vector<10240xf32> to vector<1x10240xf32>
    %swap3A = arith.constant 0 : index
    %swap3A_3 = arith.constant 0 : index
    %swap3A_4 = vector.load %arg1[%swap3A, %swap3A_3] : memref<1x10240xf32, #tpu.memory_space<vmem>>, vector<1x10240xf32>
    tpu.vector_store %arg1[%swap3A, %swap3A_3], %broadcast_in_dim3A {strides = array<i32>} : memref<1x10240xf32, #tpu.memory_space<vmem>>, vector<1x10240xf32>,
    return
  }
}

module attributes {stable_mosaic.version = 14 : i64} {
  func.func @_mid_body(%arg0: memref<64x10240xf32, #tpu.memory_space<vmem>>, %arg1: memref<64x1xf32, #tpu.memory_space<vmem>>, %arg2: memref<32x64xf32, #tpu.memory_space<vmem>>, %arg3: memref<1x32xf32, #tpu.memory_space<vmem>>, %arg4: memref<1x32xf32, #tpu.memory_space<vmem>>, %arg5: memref<32x10240xf32, #tpu.memory_space<vmem>>, %arg6: memref<1x10240xf32, #tpu.memory_space<vmem>>, %arg7: memref<1x10240xf32, #tpu.memory_space<vmem>>) attributes {dimension_semantics = [], scalar_prefetch = 0 : i64, scratch_operands = 0 : i64, tpu.core_type = #tpu.core_type<tc>} {
    %get3A = arith.constant 0 : index
    %get3A_0 = arith.constant 0 : index
    %get3A_1 = vector.load %arg0[%get3A, %get3A_0] : memref<64x10240xf32, #tpu.memory_space<vmem>>, vector<64x10240xf32>
    %get3A_2 = arith.constant 0 : index
    %get3A_3 = arith.constant 0 : index
    %get3A_4 = vector.load %arg1[%get3A_2, %get3A_3] : memref<64x1xf32, #tpu.memory_space<vmem>>, vector<64x1xf32>
    %add3A = vector.broadcast %get3A_4 : vector<64x1xf32> to vector<64x10240xf32>
    %add3A_5 = arith.addf %get3A_1, %add3A : vector<64x10240xf32>
    %max3A = arith.constant 0.000000e+00 : f32
    %max3A_6 = vector.broadcast %max3A : f32 to vector<64x10240xf32>
    %max3A_7 = arith.maximumf %add3A_5, %max3A_6 : vector<64x10240xf32>
    %get3A_8 = arith.constant 0 : index
    %get3A_9 = arith.constant 0 : index
    %get3A_10 = vector.load %arg2[%get3A_8, %get3A_9] : memref<32x64xf32, #tpu.memory_space<vmem>>, vector<32x64xf32>
    %dot_general3A = arith.constant dense<0.000000e+00> : vector<32x10240xf32>
    %dot_general3A_11 = tpu.matmul %get3A_10, %max3A_7, %dot_general3A {dimension_numbers = #tpu.dot_dimension_numbers<[1], [0], [0], [1], [0, 0, 1, 1], [], []>, transpose_lhs_hint = false} : vector<32x64xf32>, vector<64x10240xf32>, vector<32x10240xf32> -> vector<32x10240xf32>
    %swap3A = arith.constant 0 : index
    %swap3A_12 = arith.constant 0 : index
    %swap3A_13 = vector.load %arg5[%swap3A, %swap3A_12] : memref<32x10240xf32, #tpu.memory_space<vmem>>, vector<32x10240xf32>
    tpu.vector_store %arg5[%swap3A, %swap3A_12], %dot_general3A_11 {strides = array<i32>} : memref<32x10240xf32, #tpu.memory_space<vmem>>, vector<32x10240xf32>,
    %get3A_14 = arith.constant 0 : index
    %get3A_15 = arith.constant 0 : index
    %get3A_16 = vector.load %arg3[%get3A_14, %get3A_15] : memref<1x32xf32, #tpu.memory_space<vmem>>, vector<1x32xf32>
    %dot_general3A_17 = arith.constant dense<0.000000e+00> : vector<1x10240xf32>
    %dot_general3A_18 = tpu.matmul %get3A_16, %dot_general3A_11, %dot_general3A_17 {dimension_numbers = #tpu.dot_dimension_numbers<[1], [0], [0], [1], [0, 0, 1, 1], [], []>, transpose_lhs_hint = false} : vector<1x32xf32>, vector<32x10240xf32>, vector<1x10240xf32> -> vector<1x10240xf32>
    %swap3A_19 = arith.constant 0 : index
    %swap3A_20 = arith.constant 0 : index
    %swap3A_21 = vector.load %arg6[%swap3A_19, %swap3A_20] : memref<1x10240xf32, #tpu.memory_space<vmem>>, vector<1x10240xf32>
    tpu.vector_store %arg6[%swap3A_19, %swap3A_20], %dot_general3A_18 {strides = array<i32>} : memref<1x10240xf32, #tpu.memory_space<vmem>>, vector<1x10240xf32>,
    %get3A_22 = arith.constant 0 : index
    %get3A_23 = arith.constant 0 : index
    %get3A_24 = vector.load %arg4[%get3A_22, %get3A_23] : memref<1x32xf32, #tpu.memory_space<vmem>>, vector<1x32xf32>
    %dot_general3A_25 = arith.constant dense<0.000000e+00> : vector<1x10240xf32>
    %dot_general3A_26 = tpu.matmul %get3A_24, %dot_general3A_11, %dot_general3A_25 {dimension_numbers = #tpu.dot_dimension_numbers<[1], [0], [0], [1], [0, 0, 1, 1], [], []>, transpose_lhs_hint = false} : vector<1x32xf32>, vector<32x10240xf32>, vector<1x10240xf32> -> vector<1x10240xf32>
    %swap3A_27 = arith.constant 0 : index
    %swap3A_28 = arith.constant 0 : index
    %swap3A_29 = vector.load %arg7[%swap3A_27, %swap3A_28] : memref<1x10240xf32, #tpu.memory_space<vmem>>, vector<1x10240xf32>
    tpu.vector_store %arg7[%swap3A_27, %swap3A_28], %dot_general3A_26 {strides = array<i32>} : memref<1x10240xf32, #tpu.memory_space<vmem>>, vector<1x10240xf32>,
    return
  }
}

module attributes {stable_mosaic.version = 14 : i64} {
  func.func @_xp_body(%arg0: memref<32x10240xf32, #tpu.memory_space<vmem>>, %arg1: memref<32x1xf32, #tpu.memory_space<vmem>>, %arg2: memref<128x32xf32, #tpu.memory_space<vmem>>, %arg3: memref<1x128xf32, #tpu.memory_space<vmem>>, %arg4: memref<10240x128xf32, #tpu.memory_space<vmem>>, %arg5: memref<1x32xf32, #tpu.memory_space<vmem>>) attributes {dimension_semantics = [], scalar_prefetch = 0 : i64, scratch_operands = 0 : i64, tpu.core_type = #tpu.core_type<tc>} {
    %get3A = arith.constant 0 : index
    %get3A_0 = arith.constant 0 : index
    %get3A_1 = vector.load %arg0[%get3A, %get3A_0] : memref<32x10240xf32, #tpu.memory_space<vmem>>, vector<32x10240xf32>
    %get3A_2 = arith.constant 0 : index
    %get3A_3 = arith.constant 0 : index
    %get3A_4 = vector.load %arg1[%get3A_2, %get3A_3] : memref<32x1xf32, #tpu.memory_space<vmem>>, vector<32x1xf32>
    %add3A = vector.broadcast %get3A_4 : vector<32x1xf32> to vector<32x10240xf32>
    %add3A_5 = arith.addf %get3A_1, %add3A : vector<32x10240xf32>
    %get3A_6 = arith.constant 0 : index
    %get3A_7 = arith.constant 0 : index
    %get3A_8 = vector.load %arg2[%get3A_6, %get3A_7] : memref<128x32xf32, #tpu.memory_space<vmem>>, vector<128x32xf32>
    %dot_general3A = arith.constant dense<0.000000e+00> : vector<10240x128xf32>
    %dot_general3A_9 = tpu.matmul %add3A_5, %get3A_8, %dot_general3A {dimension_numbers = #tpu.dot_dimension_numbers<[0], [1], [1], [0], [0, 1, 1, 0], [], []>, transpose_lhs_hint = false} : vector<32x10240xf32>, vector<128x32xf32>, vector<10240x128xf32> -> vector<10240x128xf32>
    %get3A_10 = arith.constant 0 : index
    %get3A_11 = arith.constant 0 : index
    %get3A_12 = vector.load %arg3[%get3A_10, %get3A_11] : memref<1x128xf32, #tpu.memory_space<vmem>>, vector<1x128xf32>
    %add3A_13 = vector.broadcast %get3A_12 : vector<1x128xf32> to vector<10240x128xf32>
    %add3A_14 = arith.addf %dot_general3A_9, %add3A_13 : vector<10240x128xf32>
    %swap3A = arith.constant 0 : index
    %swap3A_15 = arith.constant 0 : index
    %swap3A_16 = vector.load %arg4[%swap3A, %swap3A_15] : memref<10240x128xf32, #tpu.memory_space<vmem>>, vector<10240x128xf32>
    tpu.vector_store %arg4[%swap3A, %swap3A_15], %add3A_14 {strides = array<i32>} : memref<10240x128xf32, #tpu.memory_space<vmem>>, vector<10240x128xf32>,
    %iota3A = tpu.iota {dimensions = array<i32: 1>} : vector<32x10240xi32>
    %lt3A = arith.constant 10000 : i32
    %lt3A_17 = vector.broadcast %lt3A : i32 to vector<32x10240xi32>
    %lt3A_18 = arith.cmpi slt, %iota3A, %lt3A_17 : vector<32x10240xi32>
    %jit3A = arith.constant 0.000000e+00 : f32
    %broadcast_in_dim3A = vector.broadcast %jit3A : f32 to vector<32x10240xf32>
    %select_n3A = arith.select %lt3A_18, %add3A_5, %broadcast_in_dim3A : vector<32x10240xi1>, vector<32x10240xf32>
    %reduce_sum3A = arith.constant dense<0.000000e+00> : vector<32xf32>
    %reduce_sum3A_19 = vector.multi_reduction <add>, %select_n3A, %reduce_sum3A [1] : vector<32x10240xf32> to vector<32xf32>
    %broadcast_in_dim3A_20 = vector.shape_cast %reduce_sum3A_19 : vector<32xf32> to vector<32x1xf32>
    %transpose3A = tpu.transpose %broadcast_in_dim3A_20, [1, 0] : vector<32x1xf32> -> vector<1x32xf32>
    %mul3A = arith.constant 9.99999974E-5 : f32
    %mul3A_21 = vector.broadcast %mul3A : f32 to vector<1x32xf32>
    %mul3A_22 = arith.mulf %transpose3A, %mul3A_21 : vector<1x32xf32>
    %swap3A_23 = arith.constant 0 : index
    %swap3A_24 = arith.constant 0 : index
    %swap3A_25 = vector.load %arg5[%swap3A_23, %swap3A_24] : memref<1x32xf32, #tpu.memory_space<vmem>>, vector<1x32xf32>
    tpu.vector_store %arg5[%swap3A_23, %swap3A_24], %mul3A_22 {strides = array<i32>} : memref<1x32xf32, #tpu.memory_space<vmem>>, vector<1x32xf32>,
    return
  }
}

module attributes {stable_mosaic.version = 14 : i64} {
  func.func @_lstm_body(%arg0: memref<10240x128xf32, #tpu.memory_space<vmem>>, %arg1: memref<32x128xf32, #tpu.memory_space<vmem>>, %arg2: memref<1x32xf32, #tpu.memory_space<vmem>>, %arg3: memref<32x1xf32, #tpu.memory_space<vmem>>, %arg4: memref<1x1xf32, #tpu.memory_space<vmem>>, %arg5: memref<32x16xf32, #tpu.memory_space<vmem>>, %arg6: memref<1x16xf32, #tpu.memory_space<vmem>>, %arg7: memref<16x1xf32, #tpu.memory_space<vmem>>, %arg8: memref<1x1xf32, #tpu.memory_space<vmem>>, %arg9: memref<2x1xf32, #tpu.memory_space<vmem>>) attributes {dimension_semantics = [], scalar_prefetch = 0 : i64, scratch_operands = 0 : i64, tpu.core_type = #tpu.core_type<tc>} {
    %get3A = arith.constant 0 : index
    %get3A_0 = arith.constant 0 : index
    %get3A_1 = vector.load %arg1[%get3A, %get3A_0] : memref<32x128xf32, #tpu.memory_space<vmem>>, vector<32x128xf32>
    %broadcast_in_dim3A = arith.constant 0.000000e+00 : f32
    %broadcast_in_dim3A_2 = vector.broadcast %broadcast_in_dim3A : f32 to vector<1x32xf32>
    %scan3A = arith.constant 0 : i32
    %scan3A_3 = arith.constant 10000 : i32
    %scan3A_4 = arith.addi %scan3A, %scan3A_3 : i32
    %scan3A_5 = arith.constant 1 : i32
    %scan3A_6:2 = scf.for %scan3A_48 = %scan3A to %scan3A_4 step %scan3A_5 iter_args(%scan3A_49 = %broadcast_in_dim3A_2, %scan3A_50 = %broadcast_in_dim3A_2) -> (vector<1x32xf32>, vector<1x32xf32>)  : i32 {
      %get3A_51 = arith.index_cast %scan3A_48 : i32 to index
      %get3A_52 = arith.constant 0 : index
      %get3A_53 = vector.load %arg0[%get3A_51, %get3A_52] : memref<10240x128xf32, #tpu.memory_space<vmem>>, vector<1x128xf32>
      %dot_general3A_54 = arith.constant dense<0.000000e+00> : vector<1x128xf32>
      %dot_general3A_55 = tpu.matmul %scan3A_49, %get3A_1, %dot_general3A_54 {dimension_numbers = #tpu.dot_dimension_numbers<[1], [0], [0], [1], [0, 0, 1, 1], [], []>, transpose_lhs_hint = false} : vector<1x32xf32>, vector<32x128xf32>, vector<1x128xf32> -> vector<1x128xf32>
      %add3A_56 = arith.addf %get3A_53, %dot_general3A_55 : vector<1x128xf32>
      %slice3A = vector.extract_strided_slice %add3A_56 {offsets = [0, 0], sizes = [1, 32], strides = [1, 1]} : vector<1x128xf32> to vector<1x32xf32>
      %logistic3A_57 = arith.negf %slice3A : vector<1x32xf32>
      %logistic3A_58 = math.exp %logistic3A_57 : vector<1x32xf32>
      %logistic3A_59 = arith.constant 1.000000e+00 : f32
      %logistic3A_60 = vector.broadcast %logistic3A_59 : f32 to vector<1x32xf32>
      %logistic3A_61 = arith.addf %logistic3A_60, %logistic3A_58 : vector<1x32xf32>
      %logistic3A_62 = arith.divf %logistic3A_60, %logistic3A_61 : vector<1x32xf32>
      %slice3A_63 = vector.extract_strided_slice %add3A_56 {offsets = [0, 32], sizes = [1, 32], strides = [1, 1]} : vector<1x128xf32> to vector<1x32xf32>
      %logistic3A_64 = arith.negf %slice3A_63 : vector<1x32xf32>
      %logistic3A_65 = math.exp %logistic3A_64 : vector<1x32xf32>
      %logistic3A_66 = arith.constant 1.000000e+00 : f32
      %logistic3A_67 = vector.broadcast %logistic3A_66 : f32 to vector<1x32xf32>
      %logistic3A_68 = arith.addf %logistic3A_67, %logistic3A_65 : vector<1x32xf32>
      %logistic3A_69 = arith.divf %logistic3A_67, %logistic3A_68 : vector<1x32xf32>
      %slice3A_70 = vector.extract_strided_slice %add3A_56 {offsets = [0, 64], sizes = [1, 32], strides = [1, 1]} : vector<1x128xf32> to vector<1x32xf32>
      %tanh3A = math.tanh %slice3A_70 : vector<1x32xf32>
      %slice3A_71 = vector.extract_strided_slice %add3A_56 {offsets = [0, 96], sizes = [1, 32], strides = [1, 1]} : vector<1x128xf32> to vector<1x32xf32>
      %logistic3A_72 = arith.negf %slice3A_71 : vector<1x32xf32>
      %logistic3A_73 = math.exp %logistic3A_72 : vector<1x32xf32>
      %logistic3A_74 = arith.constant 1.000000e+00 : f32
      %logistic3A_75 = vector.broadcast %logistic3A_74 : f32 to vector<1x32xf32>
      %logistic3A_76 = arith.addf %logistic3A_75, %logistic3A_73 : vector<1x32xf32>
      %logistic3A_77 = arith.divf %logistic3A_75, %logistic3A_76 : vector<1x32xf32>
      %mul3A = arith.mulf %logistic3A_69, %scan3A_50 : vector<1x32xf32>
      %mul3A_78 = arith.mulf %logistic3A_62, %tanh3A : vector<1x32xf32>
      %add3A_79 = arith.addf %mul3A, %mul3A_78 : vector<1x32xf32>
      %tanh3A_80 = math.tanh %add3A_79 : vector<1x32xf32>
      %mul3A_81 = arith.mulf %logistic3A_77, %tanh3A_80 : vector<1x32xf32>
      scf.yield %mul3A_81, %add3A_79 : vector<1x32xf32>, vector<1x32xf32>
    }
    %scan3A_7 = arith.constant 10000 : i32
    %max3A = arith.constant 0.000000e+00 : f32
    %max3A_8 = vector.broadcast %max3A : f32 to vector<1x32xf32>
    %max3A_9 = arith.maximumf %scan3A_6#1, %max3A_8 : vector<1x32xf32>
    %get3A_10 = arith.constant 0 : index
    %get3A_11 = arith.constant 0 : index
    %get3A_12 = vector.load %arg3[%get3A_10, %get3A_11] : memref<32x1xf32, #tpu.memory_space<vmem>>, vector<32x1xf32>
    %dot_general3A = arith.constant dense<0.000000e+00> : vector<1x1xf32>
    %dot_general3A_13 = tpu.matmul %max3A_9, %get3A_12, %dot_general3A {dimension_numbers = #tpu.dot_dimension_numbers<[1], [0], [0], [1], [0, 0, 1, 1], [], []>, transpose_lhs_hint = false} : vector<1x32xf32>, vector<32x1xf32>, vector<1x1xf32> -> vector<1x1xf32>
    %get3A_14 = arith.constant 0 : index
    %get3A_15 = arith.constant 0 : index
    %get3A_16 = vector.load %arg4[%get3A_14, %get3A_15] : memref<1x1xf32, #tpu.memory_space<vmem>>, vector<1x1xf32>
    %add3A = arith.addf %dot_general3A_13, %get3A_16 : vector<1x1xf32>
    %get3A_17 = arith.constant 0 : index
    %get3A_18 = arith.constant 0 : index
    %get3A_19 = vector.load %arg2[%get3A_17, %get3A_18] : memref<1x32xf32, #tpu.memory_space<vmem>>, vector<1x32xf32>
    %get3A_20 = arith.constant 0 : index
    %get3A_21 = arith.constant 0 : index
    %get3A_22 = vector.load %arg5[%get3A_20, %get3A_21] : memref<32x16xf32, #tpu.memory_space<vmem>>, vector<32x16xf32>
    %dot_general3A_23 = arith.constant dense<0.000000e+00> : vector<1x16xf32>
    %dot_general3A_24 = tpu.matmul %get3A_19, %get3A_22, %dot_general3A_23 {dimension_numbers = #tpu.dot_dimension_numbers<[1], [0], [0], [1], [0, 0, 1, 1], [], []>, transpose_lhs_hint = false} : vector<1x32xf32>, vector<32x16xf32>, vector<1x16xf32> -> vector<1x16xf32>
    %get3A_25 = arith.constant 0 : index
    %get3A_26 = arith.constant 0 : index
    %get3A_27 = vector.load %arg6[%get3A_25, %get3A_26] : memref<1x16xf32, #tpu.memory_space<vmem>>, vector<1x16xf32>
    %add3A_28 = arith.addf %dot_general3A_24, %get3A_27 : vector<1x16xf32>
    %max3A_29 = arith.constant 0.000000e+00 : f32
    %max3A_30 = vector.broadcast %max3A_29 : f32 to vector<1x16xf32>
    %max3A_31 = arith.maximumf %add3A_28, %max3A_30 : vector<1x16xf32>
    %get3A_32 = arith.constant 0 : index
    %get3A_33 = arith.constant 0 : index
    %get3A_34 = vector.load %arg7[%get3A_32, %get3A_33] : memref<16x1xf32, #tpu.memory_space<vmem>>, vector<16x1xf32>
    %dot_general3A_35 = arith.constant dense<0.000000e+00> : vector<1x1xf32>
    %dot_general3A_36 = tpu.matmul %max3A_31, %get3A_34, %dot_general3A_35 {dimension_numbers = #tpu.dot_dimension_numbers<[1], [0], [0], [1], [0, 0, 1, 1], [], []>, transpose_lhs_hint = false} : vector<1x16xf32>, vector<16x1xf32>, vector<1x1xf32> -> vector<1x1xf32>
    %get3A_37 = arith.constant 0 : index
    %get3A_38 = arith.constant 0 : index
    %get3A_39 = vector.load %arg8[%get3A_37, %get3A_38] : memref<1x1xf32, #tpu.memory_space<vmem>>, vector<1x1xf32>
    %add3A_40 = arith.addf %dot_general3A_36, %get3A_39 : vector<1x1xf32>
    %logistic3A = arith.negf %add3A_40 : vector<1x1xf32>
    %logistic3A_41 = math.exp %logistic3A : vector<1x1xf32>
    %logistic3A_42 = arith.constant 1.000000e+00 : f32
    %logistic3A_43 = vector.broadcast %logistic3A_42 : f32 to vector<1x1xf32>
    %logistic3A_44 = arith.addf %logistic3A_43, %logistic3A_41 : vector<1x1xf32>
    %logistic3A_45 = arith.divf %logistic3A_43, %logistic3A_44 : vector<1x1xf32>
    %concatenate3A = tpu.concatenate %logistic3A_45, %add3A in 0 : vector<1x1xf32>, vector<1x1xf32> -> vector<2x1xf32>
    %swap3A = arith.constant 0 : index
    %swap3A_46 = arith.constant 0 : index
    %swap3A_47 = vector.load %arg9[%swap3A, %swap3A_46] : memref<2x1xf32, #tpu.memory_space<vmem>>, vector<2x1xf32>
    tpu.vector_store %arg9[%swap3A, %swap3A_46], %concatenate3A {strides = array<i32>} : memref<2x1xf32, #tpu.memory_space<vmem>>, vector<2x1xf32>,
    return
  }
}

</mosaic_0001>

<sc_bundles>
// kernel: kernel.12.cloned.1.call-start
scs
__scs_entry_jumppad:
0x0: {  	(pc) =	sbr.rel $0x88, $3  }
0x1: {  	(tag) =	ssettag $0x0;
	lr =	simm.s32 $0x1  }
0x2: {  	[smem:$0x3F8D] =	sst lr;
	_ =	strace $0xD0000000  }
0x3: {  	_ = 	snop  }
0x4: {  	_ = 	snop  }
0x5: {  	_ = 	snop  }
0x6: {  	_ = 	snop  }
0x7: {  	_ = 	snop  }
__scs_overlays_trampoline_lowered:
0x8: {  	[smem:$0x3F9C] =	sst s0  }
0x9: {  	[smem:$0x3F9D] =	sst s1  }
0xa: {  	[smem:$0x3F9E] =	sst s2  }
0xb: {  	[smem:$0x3F9F] =	sst s3  }
0xc: {  	[smem:$0x3FA0] =	sst s4  }
0xd: {  	[smem:$0x3FA1] =	sst s5  }
0xe: {  	[smem:$0x3FA2] =	sst s6  }
0xf: {  	[smem:$0x3FA3] =	sst s7  }
0x10: {  	[smem:$0x3FA4] =	sst s8  }
0x11: {  	[smem:$0x3FA5] =	sst s9;
	s0 =	simm.s32 @!p0 $0x0  }
0x12: {  	s1 =	sld [smem:$0x3F8B];
	s0 =	simm.s32 @p0 $0x1  }
0x13: {  	[smem:$0x3FA6] =	sst s0;
	s0 =	simm.s32 @!p1 $0x0  }
0x14: {  	s2 =	sld [smem:$0x3F8A];
	s0 =	simm.s32 @p1 $0x1  }
0x15: {  	[smem:$0x3FA7] =	sst s0;
	s0 =	simm.s32 @!p2 $0x0  }
0x16: {  	s3 =	sld [smem:$0x3FDB];
	s0 =	simm.s32 @p2 $0x1  }
0x17: {  	s4 =	simm.s32 $0x1BF5;
	[smem:$0x3FA9] =	sst s0  }
0x18: {  	s0 =	sld [smem:$0x3F8C];
	_ =	swait.ge [sflag:s4], $0x0  }
0x19: {  	s7 =	sld [smem:$0x3F8D]  }
0x1a: {  	s8 =	sadd.s32 $0xFFFFE003, lr  }
0x1b: {  	s9 =	sadd.s32 $0xFFFFFEF7, lr;
	s5 =	simm.s32 $0xFFFFFFFF;
	p2 =	slt.u32 s8, $0xFFFFF086  }
0x1c: {  	p1 =	slt.u32 s9, $0xF7A;
	s5 =	simm.s32 @!p2 $0x0  }
0x1d: {  	s5 =	simm.s32 @p1 $0x1;
	p0 =	seq.s32 s7, s2  }
0x1e: {  	s7 =	smul.u32 @!p0 $0xF7A, s2;
	p2 =	seq.s32 @!p0 s5, $0x0  }
0x1f: {  	s9 =	smul.u32 $0xF7A, s1;
	s8 =	simm.s32 @!p0 $0x1BF5;
	p2 =	por !p2, p0  }
0x20: {  	[sflag:s8] =	ssyncset.s32 @!p0 $0xFFFFF086;
	s6 =	sadd.s32 @!p0 s3, s7;
	s7 =	simm.s32 @!p0 $0x108  }
0x21: {  	s3 =	sadd.s32 s3, s9;
	s6 =	sadd.s32 @!p0 $0x88, s6;
	s7 =	simm.s32 @p2 $0x1082  }
0x22: {  	[simem:s7], [sflag:s8] =	dma.local @!p0 [hbm:s6], $0xF7A  }
0x23: {  	s9 =	sor.u32 $0xD0000000, s2;
	s6 =	simm.s32 $0x108;
	_ =	swait.ge @!p0 [sflag:s8], $0x0  }
0x24: {  	s3 =	sadd.s32 $0x88, s3;
	s6 =	simm.s32 @!p1 $0x1082;
	[sflag:s4] =	ssyncset.s32 $0xFFFFF086  }
0x25: {  	[simem:s6], [sflag:s4] =	dma.local [hbm:s3], $0xF7A  }
0x26: {  	[smem:$0x3F8D] =	sst s1;
	(tag) =	ssettag s2;
	_ =	strace s9  }
0x27: {  	s1 =	sld [smem:$0x3F9D]  }
0x28: {  	s2 =	sld [smem:$0x3F9E]  }
0x29: {  	s4 =	sld [smem:$0x3FA0]  }
0x2a: {  	p0 =	seq.s32 s5, $0x0;
	s5 =	sld [smem:$0x3FA1]  }
0x2b: {  	s6 =	sld [smem:$0x3FA2]  }
0x2c: {  	s7 =	sld [smem:$0x3FA3]  }
0x2d: {  	s3 =	simm.s32 $0x108;
	s8 =	sld [smem:$0x3FA4]  }
0x2e: {  	s3 =	simm.s32 @!p0 $0x1082;
	s9 =	sld [smem:$0x3FA5]  }
0x2f: {  	lr =	sadd.s32 s0, s3;
	s0 =	sld [smem:$0x3F9C]  }
0x30: {  	s3 =	sld [smem:$0x3F9F]  }
0x31: {  	[smem:$0x3FA8] =	sst s10  }
0x32: {  	s10 =	sld [smem:$0x3FA6];
	_ =	sdelay $0x3  }
0x33: {  	p0 =	seq.s32 s10, $0x1;
	s10 =	sld [smem:$0x3FA8];
	_ =	sdelay $0x3  }
0x34: {  	[smem:$0x3FA8] =	sst s10  }
0x35: {  	s10 =	sld [smem:$0x3FA7];
	_ =	sdelay $0x3  }
0x36: {  	p1 =	seq.s32 s10, $0x1;
	s10 =	sld [smem:$0x3FA8];
	_ =	sdelay $0x3  }
0x37: {  	[smem:$0x3FA8] =	sst s10  }
0x38: {  	s10 =	sld [smem:$0x3FA9]  }
0x39: {  	_ = 	snop;
	(pc) =	sbr.ind lr, $3  }
0x3a: {  	_ = 	snop  }
0x3b: {  	_ = 	snop  }
0x3c: {  	p2 =	seq.s32 s10, $0x1;
	s10 =	sld [smem:$0x3FA8]  }
0x3d: {  	_ =	shalt  }
0x3e: {  	_ =	shalt  }
0x3f: {  	_ =	shalt  }
0x40: {  	_ =	shalt  }
0x41: {  	_ =	shalt  }
0x42: {  	_ =	shalt  }
0x43: {  	_ =	shalt  }
0x44: {  	_ =	shalt  }
0x45: {  	_ =	shalt  }
0x46: {  	_ =	shalt  }
0x47: {  	_ =	shalt  }
0x48: {  	_ =	shalt  }
0x49: {  	_ =	shalt  }
0x4a: {  	_ =	shalt  }
0x4b: {  	_ =	shalt  }
0x4c: {  	_ =	shalt  }
0x4d: {  	_ =	shalt  }
0x4e: {  	_ =	shalt  }
0x4f: {  	_ =	shalt  }
0x50: {  	_ =	shalt  }
0x51: {  	_ =	shalt  }
0x52: {  	_ =	shalt  }
0x53: {  	_ =	shalt  }
0x54: {  	_ =	shalt  }
0x55: {  	_ =	shalt  }
0x56: {  	_ =	shalt  }
0x57: {  	_ =	shalt  }
0x58: {  	_ =	shalt  }
0x59: {  	_ =	shalt  }
0x5a: {  	_ =	shalt  }
0x5b: {  	_ =	shalt  }
0x5c: {  	_ =	shalt  }
0x5d: {  	_ =	shalt  }
0x5e: {  	_ =	shalt  }
0x5f: {  	_ =	shalt  }
0x60: {  	_ =	shalt  }
0x61: {  	_ =	shalt  }
0x62: {  	_ =	shalt  }
0x63: {  	_ =	shalt  }
0x64: {  	_ =	shalt  }
0x65: {  	_ =	shalt  }
0x66: {  	_ =	shalt  }
0x67: {  	_ =	shalt  }
0x68: {  	_ =	shalt  }
0x69: {  	_ =	shalt  }
0x6a: {  	_ =	shalt  }
0x6b: {  	_ =	shalt  }
0x6c: {  	_ =	shalt  }
0x6d: {  	_ =	shalt  }
0x6e: {  	_ =	shalt  }
0x6f: {  	_ =	shalt  }
0x70: {  	_ =	shalt  }
0x71: {  	_ =	shalt  }
0x72: {  	_ =	shalt  }
0x73: {  	_ =	shalt  }
0x74: {  	_ =	shalt  }
0x75: {  	_ =	shalt  }
0x76: {  	_ =	shalt  }
0x77: {  	_ =	shalt  }
0x78: {  	_ =	shalt  }
0x79: {  	_ =	shalt  }
0x7a: {  	_ =	shalt  }
0x7b: {  	_ =	shalt  }
0x7c: {  	_ =	shalt  }
0x7d: {  	_ =	shalt  }
0x7e: {  	_ =	shalt  }
0x7f: {  	_ =	shalt  }
0x80: {  	_ =	shalt  }
0x81: {  	_ =	shalt  }
0x82: {  	_ =	shalt  }
0x83: {  	_ =	shalt  }
0x84: {  	_ =	shalt  }
0x85: {  	_ =	shalt  }
0x86: {  	_ =	shalt  }
0x87: {  	_ =	shalt  }
.Lfunc_end0:
.L_simem_size_0:
called_computation_lowered:
.L_overlay_start_0:
0x88: {  	s0 =	sld [smem:$0x3FD9]  }
0x89: {  	s1 =	sld [smem:$0x3FFE];
	_ =	sdelay $0x3  }
0x8a: {  	s0 =	sadd.s32 s1, s0  }
0x8b: {  	[smem:$0x3FB4] =	sst s0  }
0x8c: {  	_ = 	snop  }
0x8d: {  	(tm) =	ssettm $0x1  }
0x8e: {  	s15 =	sld [smem:$0x3FFB];
	_ =	sdelay $0x3  }
0x8f: {  	_ =	strace s15  }
0x90: {  	s0 =	sld [smem:$0x3FFC];
	_ =	sdelay $0x3  }
0x91: {  	_ =	strace s0  }
0x92: {  	s0 =	sld [smem:$0x3FFD];
	_ =	sdelay $0x3  }
0x93: {  	_ =	strace s0  }
0x94: {  	_ =	strace $0x8FFFFFFF  }
0x95: {  	s16 =	sld [smem:$0x3FDB];
	_ =	sdelay $0x1  }
0x96: {  	s17 =	simm.s32 $_scs_section_size  }
0x97: {  	s2 =	simm.s32 $_size__tile_overlayer_lowered;
	s3 =	simm.s32 $_tile_overlayer_lowered  }
0x98: {  	s20 =	simm.s32 $0x1BFF;
	s19 =	sshll.u32 s3, $0x1;
	s0 =	sadd.s32 s17, s16  }
0x99: {  	s4 =	simm.s32 $0x0;
	s18 =	sshll.u32 s2, $0x1;
	s2 =	sadd.s32 s19, s0  }
0x9a: {  	[timem:s4], [sflag:s20] =	dma.local [hbm:s2], s18  }
0x9b: {  	_ =	swait.ge [sflag:s20], s18  }
0x9c: {  	s1 =	ssub.s32 $0x0, s18;
	[sflag:s20] =	ssyncset.done $0x0  }
0x9d: {  	[sflag:s20] =	ssyncadd.s32 s1;
	_ =	sdelay $0x1  }
0x9e: {  	s21 =	simm.s32 $0x1B8B  }
0x9f: {  	_ =	swait.ge [sflag:s21], $0x1  }
0xa0: {  	[sflag:s21] =	ssyncset.done $0x0  }
0xa1: {  	s23 =	simm.s32 $0x1B8E;
	s22 =	sld [smem:$0x3FFE];
	[sflag:s21] =	ssyncadd.s32 $0xFFFFFFFF  }
0xa2: {  	s24 =	simm.s32 $execute0_lowered;
	[smem:$0x3FD2] =	sst s23  }
0xa3: {  	s2 =	sshll.u32 s24, $0x1;
	_ =	strace $0x80000046;
	[dreg:$0x1] =	wrdreg $0xFFFFFFFF  }
0xa4: {  	s25 =	simm.s32 $_size_execute0_lowered;
	s0 =	sadd.s32 s0, s2;
	[dreg:$0x0] =	wrdreg $0x0  }
0xa5: {  	s2 =	sshll.u32 s25, $0x1;
	[dreg:$0x2] =	wrdreg s0  }
0xa6: {  	[dreg:$0x3] =	wrdreg s2  }
0xa7: {  	[dreg:$0x4] =	wrdreg $0xC0  }
0xa8: {  	_ =	task [dreg:s4], $0x5FFFF  }
0xa9: {  	[dreg:$0x1] =	wrdreg $0xFFFFFFFF  }
0xaa: {  	[dreg:$0x0] =	wrdreg $0x60  }
0xab: {  	[dreg:$0x2] =	wrdreg s22  }
0xac: {  	[dreg:$0x3] =	wrdreg $0x9  }
0xad: {  	_ =	task.clear_ibuf [dreg:s4], $0x4FFFF;
	_ =	strace $0x90000046  }
0xae: {  	s26 =	simm.s32 $0x9;
	_ =	strace $0x80000048  }
0xaf: {  	_ =	swait.ge [sflag:s26], $0x1  }
0xb0: {  	[sflag:s26] =	ssyncadd.s32 $0xFFFFFFFF  }
0xb1: {  	_ =	strace $0x90000048  }
0xb2: {  	_ =	sfence  }
0xb3: {  	s28 =	sld [smem:$0x0];
	_ =	sdelay $0x1  }
0xb4: {  	s29 =	srdreg.scid  }
0xb5: {  	s30 =	sshll.u32 s29, $0xD;
	s31 =	sshrl.u32 s29, $0x2  }
0xb6: {  	s1 =	sand.u32 $0x1, s29;
	s2 =	sand.u32 $0x4000, s30;
	s0 =	sadd.s32 s31, s28  }
0xb7: {  	s1 =	sor.u32 s2, s1;
	s0 =	sshll.u32 s0, $0x11  }
0xb8: {  	s0 =	sor.u32 s0, s1  }
0xb9: {  	s0 =	sadd.s32 $0x8F2B, s0  }
0xba: {  	[sflag:s0] =	ssyncadd.remote.s32 $0x1  }
0xbb: {  	_ =	sfence.sel $0xFFFF  }
0xbc: {  	[dreg:$0x0] =	wrdreg $0xFFFFFFFF;
	(pc) =	sbr.abs _section_cstart, $3  }
0xbd: {  	[dreg:$0x1] =	wrdreg $0xFFFFFFFF  }
0xbe: {  	_ =	task.clear_ibuf [dreg:s4], $0x2FFFF;
	_ =	strace $0x9FFFFFFF  }
0xbf: {  	(tm) =	ssettm $0x7FFFFFFF  }
tec
execute0_lowered:
.L_overlay_start_1:
0x0: {  	(tag) =	ssettag $0x1  }
0x1: {  	s1 =	rddreg [dreg:$0x0]  }
0x2: {  	s0 =	rddreg [dreg:$0x1];
	s2 =	simm.s32 $0x0  }
0x3: {  	[smem:$0x7FF] =	sst s2  }
0x4: {  	s5 =	simm.s32 $0x1;
	s3 =	sadd.s32 $0x19400, s1;
	_ =	strace $0x80000047  }
0x5: {  	[tilespmem:s2], [sflag:$0x1] =	stream.linear.gather [hbm4b:s3+s2], $0x2800, $0x38;
	[tilespmem:$0x7C00] =	vst v63  }
0x6: {  	_ =	swait.ge [sflag:s5], $0x2800  }
0x7: {  	[sflag:s5] =	ssyncset.done $0x0  }
0x8: {  	s4 =	simm.s32 $0x2800;
	s31 =	sadd.s32 $0x19A00, s1;
	[sflag:s5] =	ssyncadd.s32 $0xFFFFD800  }
0x9: {  	[tilespmem:s4], [sflag:$0x1] =	stream.linear.gather [hbm4b:s31+s2], $0x2800, $0x38;
	[tilespmem:$0x7C00] =	vst v63  }
0xa: {  	s10 =	simm.s32 $0x0;
	s3 =	sadd.s32 $0x1A000, s1;
	_ =	swait.ge [sflag:s5], $0x2800  }
0xb: {  	s2 =	sadd.s32 $0x4400, s1;
	s4 =	sadd.s32 $0xEC00, s1;
	[sflag:s5] =	ssyncset.done $0x0  }
0xc: {  	v0 =	vimm.f32 $0.0e+00;
	s1 =	stileid.u32;
	[sflag:s5] =	ssyncadd.s32 $0xFFFFD800;
	s5 =	simm.s32 $0x40  }
.LBB2_1:
0xd: {  	p0 =	sne.s32 s5, $0x9FC0;
	[tilespmem:s10+$0x5000] =	vst v0;
	s6 =	smov.u32 s5;
	s5 =	sadd.s32 $0x40, s5  }
.Ltmp0:
0xe: {  	(pc) =	sbr.rel @p0 .LBB2_1-.Ltmp0, $2  }
0xf: {  	_ =	sdelay $0x2  }
0x10: {  	s10 =	sshra.s32 s6, $0x2  }
0x11: {  	s5 =	smul.u32 $0x5400, s1;
	s6 =	simm.s32 $0x0;
	s7 =	simm.s32 $0x7800  }
0x12: {  	s8 =	simm.s32 $0x1;
	s9 =	simm.s32 $0x7A00;
	[tilespmem:s10+$0x5000] =	vst v0;
	s10 =	simm.s32 $0x2800  }
0x13: {  	s11 =	simm.s32 $0x5000;
	s13 =	simm.s32 $0x0;
	s12 =	smov.u32 s5  }
.LBB2_3:
0x14: {  	s14 =	sshll.u32 s13, $0x9  }
0x15: {  	s14 =	sadd.s32 s5, s14  }
0x16: {  	s14 =	sshrl.u32 s14, $0x3  }
0x17: {  	s15 =	sadd.s32 s2, s14  }
0x18: {  	[tilespmem:s7], [sflag:$0x1] =	stream.linear.gather [hbm4b:s15+s6], $0x200, $0x38;
	[tilespmem:$0x7C00] =	vst v63  }
0x19: {  	_ =	swait.ge [sflag:s8], $0x200  }
0x1a: {  	[sflag:s8] =	ssyncset.done $0x0  }
0x1b: {  	s14 =	sadd.s32 s4, s14;
	[sflag:s8] =	ssyncadd.s32 $0xFFFFFE00  }
0x1c: {  	[tilespmem:s9], [sflag:$0x1] =	stream.linear.gather [hbm4b:s14+s6], $0x200, $0x38;
	[tilespmem:$0x7C00] =	vst v63  }
0x1d: {  	_ =	swait.ge [sflag:s8], $0x200  }
0x1e: {  	[sflag:s8] =	ssyncset.done $0x0  }
0x1f: {  	s31 =	simm.s32 $0x0;
	[sflag:s8] =	ssyncadd.s32 $0xFFFFFE00  }
0x20: {  	v0 =	vld [tilespmem:s31+$0x7A00]  }
0x21: {  	v1 =	vld [tilespmem:s31+$0x7800];
	_ =	sdelay $0x6  }
0x22: {  	v2 =	vld.idx.msk [tilespmem:v0+s10+$0x0], $0xffff  }
0x23: {  	v1 =	vld.idx.msk [tilespmem:v1+s6+$0x0], $0xffff;
	_ =	sdelay $0x4  }
0x24: {  	v1 =	vadd.f32 v2, v1;
	_ =	sdelay $0x1  }
0x25: {  	v2 =	vmul.f32 $2.000000030e-01, v1  }
0x26: {  	vm0 =	vlt.f32 v1, $0.0e+00  }
0x27: {  	v1 =	vsel vm0, v2, v1  }
0x28: {  	v1 =	vmul.f32 $1.442695020e+00, v1;
	_ =	sdelay $0x1  }
0x29: {  	(erf) = vpow2.f32 v1;
	_ =	sdelay $0x8  }
0x2a: {  	p0 =	slt.u32 s12, $0x50910;
	v1 =	vpop (erf)  }
0x2b: {  	v1 =	vpsel !p0, $0x0, v1  }
0x2c: {  	s16 =	simm.s32 $0x10;
	[tilespmem:v0+s11+$0x0] =	vst.idx.add.f32.msk $0xffff, v1  }
0x2d: {  	s15 =	simm.s32 $0x80;
	s14 =	smov.u32 s12;
	v0 =	vld [tilespmem:s16+$0x7A00]  }
.LBB2_4:
0x2e: {  	p0 =	sne.s32 s15, $0x7C0;
	v1 =	vld [tilespmem:s16+$0x7800];
	_ =	sdelay $0x6  }
0x2f: {  	v2 =	vld.idx.msk [tilespmem:v0+s10+$0x0], $0xffff  }
0x30: {  	v1 =	vld.idx.msk [tilespmem:v1+s6+$0x0], $0xffff;
	_ =	sdelay $0x5  }
0x31: {  	v1 =	vadd.f32 v2, v1;
	_ =	sdelay $0x1  }
0x32: {  	v2 =	vmul.f32 $2.000000030e-01, v1  }
0x33: {  	vm0 =	vlt.f32 v1, $0.0e+00  }
0x34: {  	v1 =	vsel vm0, v2, v1  }
0x35: {  	v1 =	vmul.f32 $1.442695020e+00, v1;
	_ =	sdelay $0x1  }
0x36: {  	(erf) = vpow2.f32 v1;
	_ =	sdelay $0x7  }
.Ltmp1:
0x37: {  	s14 =	sadd.s32 $0x10, s14;
	(pc) =	sbr.rel @p0 .LBB2_4-.Ltmp1, $4  }
0x38: {  	p1 =	slt.u32 s14, $0x50910;
	v1 =	vpop (erf)  }
0x39: {  	v1 =	vpsel !p1, $0x0, v1  }
0x3a: {  	s16 =	sshra.s32 s15, $0x2;
	[tilespmem:v0+s11+$0x0] =	vst.idx.add.f32.msk $0xffff, v1  }
0x3b: {  	s15 =	sadd.s32 $0x40, s15;
	v0 =	vld [tilespmem:s16+$0x7A00]  }
0x3c: {  	_ = 	snop  }
0x3d: {  	v1 =	vld [tilespmem:s16+$0x7800];
	_ =	sdelay $0x6  }
0x3e: {  	v2 =	vld.idx.msk [tilespmem:v0+s10+$0x0], $0xffff  }
0x3f: {  	v1 =	vld.idx.msk [tilespmem:v1+s6+$0x0], $0xffff;
	_ =	sdelay $0x4  }
0x40: {  	v1 =	vadd.f32 v2, v1;
	_ =	sdelay $0x1  }
0x41: {  	v2 =	vmul.f32 $2.000000030e-01, v1  }
0x42: {  	vm0 =	vlt.f32 v1, $0.0e+00  }
0x43: {  	v1 =	vsel vm0, v2, v1  }
0x44: {  	v1 =	vmul.f32 $1.442695020e+00, v1;
	_ =	sdelay $0x1  }
0x45: {  	(erf) = vpow2.f32 v1;
	_ =	sdelay $0x7  }
0x46: {  	s14 =	sadd.s32 $0x10, s14  }
0x47: {  	s13 =	sadd.s32 $0x1, s13;
	p0 =	slt.u32 s14, $0x50910;
	v1 =	vpop (erf)  }
0x48: {  	v1 =	vpsel !p0, $0x0, v1;
	p0 =	sne.s32 s13, $0x2A  }
.Ltmp2:
0x49: {  	_ = 	snop;
	(pc) =	sbr.rel @p0 .LBB2_3-.Ltmp2, $2  }
0x4a: {  	_ =	sdelay $0x2  }
0x4b: {  	s12 =	sadd.s32 $0x200, s12;
	[tilespmem:v0+s11+$0x0] =	vst.idx.add.f32.msk $0xffff, v1  }
0x4c: {  	s2 =	smul.u32 $0x500, s1  }
0x4d: {  	s30 =	simm.s32 $0x0  }
0x4e: {  	s4 =	simm.s32 $0x5000;
	s31 =	simm.s32 $0x1;
	s2 =	sadd.s32 s3, s2  }
0x4f: {  	[hbm4b:s2+s30] =	stream.linear.scatter [tilespmem:s4], [sflag:$0x1], $0x2800, $0x38;
	[tilespmem:$0x7C00] =	vst v63  }
0x50: {  	_ =	swait.ge [sflag:s31], $0x2800  }
0x51: {  	[sflag:s31] =	ssyncset.done $0x0  }
0x52: {  	[sflag:s31] =	ssyncadd.s32 $0xFFFFD800  }
0x53: {  	_ =	sfence.sel $0x180000  }
0x54: {  	[bflag:$0x0] =	sbarrier.arrive $0xFFFF  }
0x55: {  	p0 =	sne.s32 s1, $0x0;
	_ =	strace $0x90000047  }
0x56: {  	s0 =	sadd.s32 @!p0 $0x100000, s0;
	[bflag:$0x2] =	sbarrier.arrive $0xFFFF  }
0x57: {  	[sflag:s0] =	ssyncadd.tile.s32 @!p0 $0x1;
	_ =	shalt  }
.Lfunc_end2:
_tile_overlayer_lowered:
.L_overlay_start_2:
0x58: {  	(tag) =	ssettag $0x2  }
0x59: {  	s0 =	rddreg [dreg:$0x0];
	s2 =	stileid.u32  }
0x5a: {  	s1 =	rddreg [dreg:$0x1];
	p0 =	sne.s32 s2, $0x0  }
0x5b: {  	s3 =	rddreg [dreg:$0x2];
	[bflag:$0x3] =	sbarrier.arrive $0xFFFF;
	s2 =	simm.s32 @!p0 $0x1C01  }
0x5c: {  	[timem:s3], [sflag:s2] =	dma.local @!p0 [hbm:s0], s1  }
0x5d: {  	s0 =	simm.s32 @!p0 $0x1  }
0x5e: {  	_ =	swait.ge @!p0 [sflag:s0], s1  }
0x5f: {  	s1 =	ssub.s32 @!p0 $0x0, s1;
	[sflag:s0] =	ssyncset.done @!p0 $0x0  }
0x60: {  	[sflag:s0] =	ssyncadd.s32 @!p0 s1  }
0x61: {  	[bflag:$0x3] =	sbarrier.arrive $0xFFFF  }
0x62: {  	_ =	shalt  }

// kernel: kernel.15.cloned.1.call-start
scs
__scs_entry_jumppad:
0x0: {  	(pc) =	sbr.rel $0x88, $3  }
0x1: {  	(tag) =	ssettag $0x0;
	lr =	simm.s32 $0x1  }
0x2: {  	[smem:$0x3F8D] =	sst lr;
	_ =	strace $0xD0000000  }
0x3: {  	_ = 	snop  }
0x4: {  	_ = 	snop  }
0x5: {  	_ = 	snop  }
0x6: {  	_ = 	snop  }
0x7: {  	_ = 	snop  }
__scs_overlays_trampoline_lowered:
0x8: {  	[smem:$0x3F9C] =	sst s0  }
0x9: {  	[smem:$0x3F9D] =	sst s1  }
0xa: {  	[smem:$0x3F9E] =	sst s2  }
0xb: {  	[smem:$0x3F9F] =	sst s3  }
0xc: {  	[smem:$0x3FA0] =	sst s4  }
0xd: {  	[smem:$0x3FA1] =	sst s5  }
0xe: {  	[smem:$0x3FA2] =	sst s6  }
0xf: {  	[smem:$0x3FA3] =	sst s7  }
0x10: {  	[smem:$0x3FA4] =	sst s8  }
0x11: {  	[smem:$0x3FA5] =	sst s9;
	s0 =	simm.s32 @!p0 $0x0  }
0x12: {  	s1 =	sld [smem:$0x3F8B];
	s0 =	simm.s32 @p0 $0x1  }
0x13: {  	[smem:$0x3FA6] =	sst s0;
	s0 =	simm.s32 @!p1 $0x0  }
0x14: {  	s2 =	sld [smem:$0x3F8A];
	s0 =	simm.s32 @p1 $0x1  }
0x15: {  	[smem:$0x3FA7] =	sst s0;
	s0 =	simm.s32 @!p2 $0x0  }
0x16: {  	s3 =	sld [smem:$0x3FDB];
	s0 =	simm.s32 @p2 $0x1  }
0x17: {  	s4 =	simm.s32 $0x1BF5;
	[smem:$0x3FA9] =	sst s0  }
0x18: {  	s0 =	sld [smem:$0x3F8C];
	_ =	swait.ge [sflag:s4], $0x0  }
0x19: {  	s7 =	sld [smem:$0x3F8D]  }
0x1a: {  	s8 =	sadd.s32 $0xFFFFE003, lr  }
0x1b: {  	s9 =	sadd.s32 $0xFFFFFEF7, lr;
	s5 =	simm.s32 $0xFFFFFFFF;
	p2 =	slt.u32 s8, $0xFFFFF086  }
0x1c: {  	p1 =	slt.u32 s9, $0xF7A;
	s5 =	simm.s32 @!p2 $0x0  }
0x1d: {  	s5 =	simm.s32 @p1 $0x1;
	p0 =	seq.s32 s7, s2  }
0x1e: {  	s7 =	smul.u32 @!p0 $0xF7A, s2;
	p2 =	seq.s32 @!p0 s5, $0x0  }
0x1f: {  	s9 =	smul.u32 $0xF7A, s1;
	s8 =	simm.s32 @!p0 $0x1BF5;
	p2 =	por !p2, p0  }
0x20: {  	[sflag:s8] =	ssyncset.s32 @!p0 $0xFFFFF086;
	s6 =	sadd.s32 @!p0 s3, s7;
	s7 =	simm.s32 @!p0 $0x108  }
0x21: {  	s3 =	sadd.s32 s3, s9;
	s6 =	sadd.s32 @!p0 $0x88, s6;
	s7 =	simm.s32 @p2 $0x1082  }
0x22: {  	[simem:s7], [sflag:s8] =	dma.local @!p0 [hbm:s6], $0xF7A  }
0x23: {  	s9 =	sor.u32 $0xD0000000, s2;
	s6 =	simm.s32 $0x108;
	_ =	swait.ge @!p0 [sflag:s8], $0x0  }
0x24: {  	s3 =	sadd.s32 $0x88, s3;
	s6 =	simm.s32 @!p1 $0x1082;
	[sflag:s4] =	ssyncset.s32 $0xFFFFF086  }
0x25: {  	[simem:s6], [sflag:s4] =	dma.local [hbm:s3], $0xF7A  }
0x26: {  	[smem:$0x3F8D] =	sst s1;
	(tag) =	ssettag s2;
	_ =	strace s9  }
0x27: {  	s1 =	sld [smem:$0x3F9D]  }
0x28: {  	s2 =	sld [smem:$0x3F9E]  }
0x29: {  	s4 =	sld [smem:$0x3FA0]  }
0x2a: {  	p0 =	seq.s32 s5, $0x0;
	s5 =	sld [smem:$0x3FA1]  }
0x2b: {  	s6 =	sld [smem:$0x3FA2]  }
0x2c: {  	s7 =	sld [smem:$0x3FA3]  }
0x2d: {  	s3 =	simm.s32 $0x108;
	s8 =	sld [smem:$0x3FA4]  }
0x2e: {  	s3 =	simm.s32 @!p0 $0x1082;
	s9 =	sld [smem:$0x3FA5]  }
0x2f: {  	lr =	sadd.s32 s0, s3;
	s0 =	sld [smem:$0x3F9C]  }
0x30: {  	s3 =	sld [smem:$0x3F9F]  }
0x31: {  	[smem:$0x3FA8] =	sst s10  }
0x32: {  	s10 =	sld [smem:$0x3FA6];
	_ =	sdelay $0x3  }
0x33: {  	p0 =	seq.s32 s10, $0x1;
	s10 =	sld [smem:$0x3FA8];
	_ =	sdelay $0x3  }
0x34: {  	[smem:$0x3FA8] =	sst s10  }
0x35: {  	s10 =	sld [smem:$0x3FA7];
	_ =	sdelay $0x3  }
0x36: {  	p1 =	seq.s32 s10, $0x1;
	s10 =	sld [smem:$0x3FA8];
	_ =	sdelay $0x3  }
0x37: {  	[smem:$0x3FA8] =	sst s10  }
0x38: {  	s10 =	sld [smem:$0x3FA9]  }
0x39: {  	_ = 	snop;
	(pc) =	sbr.ind lr, $3  }
0x3a: {  	_ = 	snop  }
0x3b: {  	_ = 	snop  }
0x3c: {  	p2 =	seq.s32 s10, $0x1;
	s10 =	sld [smem:$0x3FA8]  }
0x3d: {  	_ =	shalt  }
0x3e: {  	_ =	shalt  }
0x3f: {  	_ =	shalt  }
0x40: {  	_ =	shalt  }
0x41: {  	_ =	shalt  }
0x42: {  	_ =	shalt  }
0x43: {  	_ =	shalt  }
0x44: {  	_ =	shalt  }
0x45: {  	_ =	shalt  }
0x46: {  	_ =	shalt  }
0x47: {  	_ =	shalt  }
0x48: {  	_ =	shalt  }
0x49: {  	_ =	shalt  }
0x4a: {  	_ =	shalt  }
0x4b: {  	_ =	shalt  }
0x4c: {  	_ =	shalt  }
0x4d: {  	_ =	shalt  }
0x4e: {  	_ =	shalt  }
0x4f: {  	_ =	shalt  }
0x50: {  	_ =	shalt  }
0x51: {  	_ =	shalt  }
0x52: {  	_ =	shalt  }
0x53: {  	_ =	shalt  }
0x54: {  	_ =	shalt  }
0x55: {  	_ =	shalt  }
0x56: {  	_ =	shalt  }
0x57: {  	_ =	shalt  }
0x58: {  	_ =	shalt  }
0x59: {  	_ =	shalt  }
0x5a: {  	_ =	shalt  }
0x5b: {  	_ =	shalt  }
0x5c: {  	_ =	shalt  }
0x5d: {  	_ =	shalt  }
0x5e: {  	_ =	shalt  }
0x5f: {  	_ =	shalt  }
0x60: {  	_ =	shalt  }
0x61: {  	_ =	shalt  }
0x62: {  	_ =	shalt  }
0x63: {  	_ =	shalt  }
0x64: {  	_ =	shalt  }
0x65: {  	_ =	shalt  }
0x66: {  	_ =	shalt  }
0x67: {  	_ =	shalt  }
0x68: {  	_ =	shalt  }
0x69: {  	_ =	shalt  }
0x6a: {  	_ =	shalt  }
0x6b: {  	_ =	shalt  }
0x6c: {  	_ =	shalt  }
0x6d: {  	_ =	shalt  }
0x6e: {  	_ =	shalt  }
0x6f: {  	_ =	shalt  }
0x70: {  	_ =	shalt  }
0x71: {  	_ =	shalt  }
0x72: {  	_ =	shalt  }
0x73: {  	_ =	shalt  }
0x74: {  	_ =	shalt  }
0x75: {  	_ =	shalt  }
0x76: {  	_ =	shalt  }
0x77: {  	_ =	shalt  }
0x78: {  	_ =	shalt  }
0x79: {  	_ =	shalt  }
0x7a: {  	_ =	shalt  }
0x7b: {  	_ =	shalt  }
0x7c: {  	_ =	shalt  }
0x7d: {  	_ =	shalt  }
0x7e: {  	_ =	shalt  }
0x7f: {  	_ =	shalt  }
0x80: {  	_ =	shalt  }
0x81: {  	_ =	shalt  }
0x82: {  	_ =	shalt  }
0x83: {  	_ =	shalt  }
0x84: {  	_ =	shalt  }
0x85: {  	_ =	shalt  }
0x86: {  	_ =	shalt  }
0x87: {  	_ =	shalt  }
.Lfunc_end0:
.L_simem_size_0:
called_computation.1_lowered:
.L_overlay_start_0:
0x88: {  	s0 =	sld [smem:$0x3FD9]  }
0x89: {  	s1 =	sld [smem:$0x3FFE];
	_ =	sdelay $0x3  }
0x8a: {  	s0 =	sadd.s32 s1, s0  }
0x8b: {  	[smem:$0x3FB4] =	sst s0  }
0x8c: {  	_ = 	snop  }
0x8d: {  	(tm) =	ssettm $0x1  }
0x8e: {  	s15 =	sld [smem:$0x3FFB];
	_ =	sdelay $0x3  }
0x8f: {  	_ =	strace s15  }
0x90: {  	s0 =	sld [smem:$0x3FFC];
	_ =	sdelay $0x3  }
0x91: {  	_ =	strace s0  }
0x92: {  	s0 =	sld [smem:$0x3FFD];
	_ =	sdelay $0x3  }
0x93: {  	_ =	strace s0  }
0x94: {  	_ =	strace $0x8FFFFFFF  }
0x95: {  	s16 =	sld [smem:$0x3FDB];
	_ =	sdelay $0x1  }
0x96: {  	s17 =	simm.s32 $_scs_section_size  }
0x97: {  	s2 =	simm.s32 $_size__tile_overlayer_lowered;
	s3 =	simm.s32 $_tile_overlayer_lowered  }
0x98: {  	s20 =	simm.s32 $0x1BFF;
	s19 =	sshll.u32 s3, $0x1;
	s0 =	sadd.s32 s17, s16  }
0x99: {  	s4 =	simm.s32 $0x0;
	s18 =	sshll.u32 s2, $0x1;
	s2 =	sadd.s32 s19, s0  }
0x9a: {  	[timem:s4], [sflag:s20] =	dma.local [hbm:s2], s18  }
0x9b: {  	_ =	swait.ge [sflag:s20], s18  }
0x9c: {  	s1 =	ssub.s32 $0x0, s18;
	[sflag:s20] =	ssyncset.done $0x0  }
0x9d: {  	[sflag:s20] =	ssyncadd.s32 s1;
	_ =	sdelay $0x1  }
0x9e: {  	s21 =	simm.s32 $0x1B8B  }
0x9f: {  	_ =	swait.ge [sflag:s21], $0x1  }
0xa0: {  	[sflag:s21] =	ssyncset.done $0x0  }
0xa1: {  	s23 =	simm.s32 $0x1B8E;
	s22 =	sld [smem:$0x3FFE];
	[sflag:s21] =	ssyncadd.s32 $0xFFFFFFFF  }
0xa2: {  	s24 =	simm.s32 $execute0_lowered;
	[smem:$0x3FD2] =	sst s23  }
0xa3: {  	s2 =	sshll.u32 s24, $0x1;
	_ =	strace $0x80000049;
	[dreg:$0x1] =	wrdreg $0xFFFFFFFF  }
0xa4: {  	s25 =	simm.s32 $_size_execute0_lowered;
	s0 =	sadd.s32 s0, s2;
	[dreg:$0x0] =	wrdreg $0x0  }
0xa5: {  	s2 =	sshll.u32 s25, $0x1;
	[dreg:$0x2] =	wrdreg s0  }
0xa6: {  	[dreg:$0x3] =	wrdreg s2  }
0xa7: {  	[dreg:$0x4] =	wrdreg $0xC0  }
0xa8: {  	_ =	task [dreg:s4], $0x5FFFF  }
0xa9: {  	[dreg:$0x1] =	wrdreg $0xFFFFFFFF  }
0xaa: {  	[dreg:$0x0] =	wrdreg $0x60  }
0xab: {  	[dreg:$0x2] =	wrdreg s22  }
0xac: {  	[dreg:$0x3] =	wrdreg $0x9  }
0xad: {  	_ =	task.clear_ibuf [dreg:s4], $0x4FFFF;
	_ =	strace $0x90000049  }
0xae: {  	s26 =	simm.s32 $0x9;
	_ =	strace $0x8000004B  }
0xaf: {  	_ =	swait.ge [sflag:s26], $0x1  }
0xb0: {  	[sflag:s26] =	ssyncadd.s32 $0xFFFFFFFF  }
0xb1: {  	_ =	strace $0x9000004B  }
0xb2: {  	_ =	sfence  }
0xb3: {  	s28 =	sld [smem:$0x0];
	_ =	sdelay $0x1  }
0xb4: {  	s29 =	srdreg.scid  }
0xb5: {  	s30 =	sshll.u32 s29, $0xD;
	s31 =	sshrl.u32 s29, $0x2  }
0xb6: {  	s1 =	sand.u32 $0x1, s29;
	s2 =	sand.u32 $0x4000, s30;
	s0 =	sadd.s32 s31, s28  }
0xb7: {  	s1 =	sor.u32 s2, s1;
	s0 =	sshll.u32 s0, $0x11  }
0xb8: {  	s0 =	sor.u32 s0, s1  }
0xb9: {  	s0 =	sadd.s32 $0x8F2B, s0  }
0xba: {  	[sflag:s0] =	ssyncadd.remote.s32 $0x1  }
0xbb: {  	_ =	sfence.sel $0xFFFF  }
0xbc: {  	[dreg:$0x0] =	wrdreg $0xFFFFFFFF;
	(pc) =	sbr.abs _section_cstart, $3  }
0xbd: {  	[dreg:$0x1] =	wrdreg $0xFFFFFFFF  }
0xbe: {  	_ =	task.clear_ibuf [dreg:s4], $0x2FFFF;
	_ =	strace $0x9FFFFFFF  }
0xbf: {  	(tm) =	ssettm $0x7FFFFFFF  }
tec
execute0_lowered:
.L_overlay_start_1:
0x0: {  	(tag) =	ssettag $0x1  }
0x1: {  	s7 =	rddreg [dreg:$0x0]  }
0x2: {  	s0 =	rddreg [dreg:$0x1];
	s2 =	simm.s32 $0x0  }
0x3: {  	[smem:$0x7FF] =	sst s2  }
0x4: {  	s10 =	simm.s32 $0x1;
	s1 =	sadd.s32 $0x19400, s7;
	_ =	strace $0x8000004A  }
0x5: {  	[tilespmem:s2], [sflag:$0x1] =	stream.linear.gather [hbm4b:s1+s2], $0x2800, $0x38;
	[tilespmem:$0x1BC00] =	vst v63  }
0x6: {  	_ =	swait.ge [sflag:s10], $0x2800  }
0x7: {  	[sflag:s10] =	ssyncset.done $0x0  }
0x8: {  	s3 =	simm.s32 $0x2800;
	s24 =	sadd.s32 $0x19A00, s7;
	[sflag:s10] =	ssyncadd.s32 $0xFFFFD800  }
0x9: {  	[tilespmem:s3], [sflag:$0x1] =	stream.linear.gather [hbm4b:s24+s2], $0x2800, $0x38;
	[tilespmem:$0x1BC00] =	vst v63  }
0xa: {  	_ =	swait.ge [sflag:s10], $0x2800  }
0xb: {  	s5 =	simm.s32 $0x5000;
	[sflag:s10] =	ssyncset.done $0x0  }
0xc: {  	s4 =	sadd.s32 $0x1A000, s7;
	s1 =	stileid.u32;
	[sflag:s10] =	ssyncadd.s32 $0xFFFFD800  }
0xd: {  	[tilespmem:s5], [sflag:$0x1] =	stream.linear.gather [hbm4b:s4+s2], $0x2800, $0x38;
	[tilespmem:$0x1BC00] =	vst v63  }
0xe: {  	s3 =	smul.u32 $0x1400, s1;
	_ =	swait.ge [sflag:s10], $0x2800  }
0xf: {  	s6 =	simm.s32 $0x7C00;
	s8 =	sadd.s32 $0x1F000, s7;
	[sflag:s10] =	ssyncset.done $0x0  }
0x10: {  	s26 =	smul.u32 $0xA000, s1;
	s25 =	sadd.s32 s8, s3;
	[sflag:s10] =	ssyncadd.s32 $0xFFFFD800  }
0x11: {  	[tilespmem:s6], [sflag:$0x1] =	stream.linear.gather [hbm4b:s25+s2], $0x2800, $0x38;
	[tilespmem:$0x1BC00] =	vst v63  }
0x12: {  	s28 =	sshrl.u32 s26, $0x3;
	_ =	swait.ge [sflag:s10], $0x2800  }
0x13: {  	s4 =	sadd.s32 $0x500, s28;
	[sflag:s10] =	ssyncset.done $0x0  }
0x14: {  	s9 =	simm.s32 $0xA400;
	s29 =	sadd.s32 s8, s4;
	[sflag:s10] =	ssyncadd.s32 $0xFFFFD800  }
0x15: {  	[tilespmem:s9], [sflag:$0x1] =	stream.linear.gather [hbm4b:s29+s2], $0x2800, $0x38;
	[tilespmem:$0x1BC00] =	vst v63  }
0x16: {  	_ =	swait.ge [sflag:s10], $0x2800  }
0x17: {  	s5 =	sadd.s32 $0xA00, s28;
	[sflag:s10] =	ssyncset.done $0x0  }
0x18: {  	s11 =	simm.s32 $0xCC00;
	s30 =	sadd.s32 s8, s5;
	[sflag:s10] =	ssyncadd.s32 $0xFFFFD800  }
0x19: {  	[tilespmem:s11], [sflag:$0x1] =	stream.linear.gather [hbm4b:s30+s2], $0x2800, $0x38;
	[tilespmem:$0x1BC00] =	vst v63  }
0x1a: {  	_ =	swait.ge [sflag:s10], $0x2800  }
0x1b: {  	s6 =	sadd.s32 $0xF00, s28;
	[sflag:s10] =	ssyncset.done $0x0  }
0x1c: {  	s31 =	simm.s32 $0xF400;
	s8 =	sadd.s32 s8, s6;
	[sflag:s10] =	ssyncadd.s32 $0xFFFFD800  }
0x1d: {  	[tilespmem:s31], [sflag:$0x1] =	stream.linear.gather [hbm4b:s8+s2], $0x2800, $0x38;
	[tilespmem:$0x1BC00] =	vst v63  }
0x1e: {  	_ =	swait.ge [sflag:s10], $0x2800  }
0x1f: {  	s9 =	sadd.s32 $0xEC00, s7;
	s8 =	sadd.s32 $0x4400, s7;
	[sflag:s10] =	ssyncset.done $0x0  }
0x20: {  	v0 =	vimm.f32 $0.0e+00;
	s7 =	sadd.s32 $0x33000, s7;
	[sflag:s10] =	ssyncadd.s32 $0xFFFFD800;
	s10 =	simm.s32 $0x0  }
.LBB2_1:
0x21: {  	p0 =	sne.s32 s10, $0x9FC0  }
.Ltmp0:
0x22: {  	s11 =	sshra.s32 s10, $0x2;
	(pc) =	sbr.rel @p0 .LBB2_1-.Ltmp0, $4  }
0x23: {  	[tilespmem:s11+$0x11C00] =	vst v0  }
0x24: {  	[tilespmem:s11+$0x14400] =	vst v0  }
0x25: {  	[tilespmem:s11+$0x16C00] =	vst v0  }
0x26: {  	s10 =	sadd.s32 $0x40, s10;
	[tilespmem:s11+$0x19400] =	vst v0  }
0x27: {  	s10 =	simm.s32 $0x7800;
	s11 =	simm.s32 $0x1;
	s12 =	simm.s32 $0x7A00  }
0x28: {  	s13 =	simm.s32 $0x0;
	s14 =	simm.s32 $0x2800;
	s15 =	simm.s32 $0x5000  }
0x29: {  	s16 =	simm.s32 $0x7C00;
	s17 =	simm.s32 $0x11C00;
	s18 =	simm.s32 $0xA400  }
0x2a: {  	s19 =	simm.s32 $0x14400;
	s20 =	simm.s32 $0xCC00;
	s21 =	simm.s32 $0x16C00  }
0x2b: {  	s22 =	simm.s32 $0xF400;
	s23 =	simm.s32 $0x19400;
	s24 =	simm.s32 $0x0  }
.LBB2_3:
0x2c: {  	s25 =	sshll.u32 s24, $0x6  }
0x2d: {  	s26 =	sadd.s32 s8, s25  }
0x2e: {  	[tilespmem:s10], [sflag:$0x1] =	stream.linear.gather [hbm4b:s26+s13], $0x200, $0x38;
	[tilespmem:$0x1BC00] =	vst v63  }
0x2f: {  	_ =	swait.ge [sflag:s11], $0x200  }
0x30: {  	[sflag:s11] =	ssyncset.done $0x0  }
0x31: {  	s25 =	sadd.s32 s9, s25;
	[sflag:s11] =	ssyncadd.s32 $0xFFFFFE00  }
0x32: {  	[tilespmem:s12], [sflag:$0x1] =	stream.linear.gather [hbm4b:s25+s13], $0x200, $0x38;
	[tilespmem:$0x1BC00] =	vst v63  }
0x33: {  	_ =	swait.ge [sflag:s11], $0x200  }
0x34: {  	[sflag:s11] =	ssyncset.done $0x0  }
0x35: {  	s31 =	simm.s32 $0x0;
	[sflag:s11] =	ssyncadd.s32 $0xFFFFFE00  }
0x36: {  	v1 =	vld [tilespmem:s31+$0x7800]  }
0x37: {  	v0 =	vld [tilespmem:s31+$0x7A00];
	_ =	sdelay $0x6  }
0x38: {  	v2 =	vld.idx.msk [tilespmem:v1+s13+$0x0], $0xffff  }
0x39: {  	v3 =	vld.idx.msk [tilespmem:v0+s14+$0x0], $0xffff;
	_ =	sdelay $0x4  }
0x3a: {  	v2 =	vadd.f32 v3, v2  }
0x3b: {  	v3 =	vld.idx.msk [tilespmem:v0+s15+$0x0], $0xffff  }
0x3c: {  	v4 =	vmul.f32 $2.000000030e-01, v2  }
0x3d: {  	vm0 =	vlt.f32 v2, $0.0e+00  }
0x3e: {  	v2 =	vsel vm0, v4, v2  }
0x3f: {  	v2 =	vmul.f32 $1.442695020e+00, v2  }
0x40: {  	v3 =	vadd.f32 $1.000000020e-16, v3  }
0x41: {  	(erf) = vpow2.f32 v2  }
0x42: {  	(erf) = vrcp.f32 v3;
	_ =	sdelay $0x6  }
0x43: {  	v2 =	vld.idx.msk [tilespmem:v1+s16+$0x0], $0xffff  }
0x44: {  	p0 =	slt.u32 s2, $0x50910;
	v3 =	vpop (erf)  }
0x45: {  	v3 =	vpsel !p0, $0x0, v3;
	v63 =	vpop (erf)  }
0x46: {  	v3 =	vmul.f32 v3, v63;
	_ =	sdelay $0x1  }
0x47: {  	v2 =	vmul.f32 v3, v2;
	_ =	sdelay $0x1  }
0x48: {  	[tilespmem:v0+s17+$0x0] =	vst.idx.add.f32.msk $0xffff, v2  }
0x49: {  	v2 =	vld.idx.msk [tilespmem:v1+s18+$0x0], $0xffff;
	_ =	sdelay $0x4  }
0x4a: {  	v2 =	vmul.f32 v3, v2;
	_ =	sdelay $0x1  }
0x4b: {  	[tilespmem:v0+s19+$0x0] =	vst.idx.add.f32.msk $0xffff, v2  }
0x4c: {  	v2 =	vld.idx.msk [tilespmem:v1+s20+$0x0], $0xffff;
	_ =	sdelay $0x4  }
0x4d: {  	v2 =	vmul.f32 v3, v2;
	_ =	sdelay $0x1  }
0x4e: {  	[tilespmem:v0+s21+$0x0] =	vst.idx.add.f32.msk $0xffff, v2  }
0x4f: {  	v1 =	vld.idx.msk [tilespmem:v1+s22+$0x0], $0xffff;
	_ =	sdelay $0x4  }
0x50: {  	s26 =	smov.u32 s2;
	s25 =	simm.s32 $0x40;
	v1 =	vmul.f32 v1, v3  }
.LBB2_4:
0x51: {  	p0 =	sne.s32 s25, $0x7C0  }
0x52: {  	s26 =	sadd.s32 $0x10, s26;
	s28 =	smov.u32 s25;
	s25 =	sadd.s32 $0x40, s25  }
0x53: {  	s28 =	sshra.s32 s28, $0x2;
	[tilespmem:v0+s23+$0x0] =	vst.idx.add.f32.msk $0xffff, v1  }
0x54: {  	v1 =	vld [tilespmem:s28+$0x7800]  }
0x55: {  	v0 =	vld [tilespmem:s28+$0x7A00];
	_ =	sdelay $0x6  }
0x56: {  	v2 =	vld.idx.msk [tilespmem:v1+s13+$0x0], $0xffff  }
0x57: {  	v3 =	vld.idx.msk [tilespmem:v0+s14+$0x0], $0xffff;
	_ =	sdelay $0x4  }
0x58: {  	v4 =	vld.idx.msk [tilespmem:v0+s15+$0x0], $0xffff  }
0x59: {  	v2 =	vadd.f32 v3, v2;
	_ =	sdelay $0x1  }
0x5a: {  	vm0 =	vlt.f32 v2, $0.0e+00;
	v3 =	vmul.f32 $2.000000030e-01, v2;
	_ =	sdelay $0x1  }
0x5b: {  	v2 =	vsel vm0, v3, v2  }
0x5c: {  	v2 =	vmul.f32 $1.442695020e+00, v2;
	v3 =	vadd.f32 $1.000000020e-16, v4;
	_ =	sdelay $0x1  }
0x5d: {  	(erf) = vpow2.f32 v2  }
0x5e: {  	(erf) = vrcp.f32 v3;
	_ =	sdelay $0x4  }
0x5f: {  	v2 =	vld.idx.msk [tilespmem:v1+s16+$0x0], $0xffff;
	_ =	sdelay $0x1  }
0x60: {  	p1 =	slt.u32 s26, $0x50910  }
0x61: {  	v3 =	vpop (erf)  }
0x62: {  	v3 =	vpsel !p1, $0x0, v3;
	v4 =	vpop (erf)  }
0x63: {  	v3 =	vmul.f32 v3, v4;
	_ =	sdelay $0x1  }
0x64: {  	v2 =	vmul.f32 v3, v2;
	_ =	sdelay $0x1  }
0x65: {  	[tilespmem:v0+s17+$0x0] =	vst.idx.add.f32.msk $0xffff, v2  }
0x66: {  	v2 =	vld.idx.msk [tilespmem:v1+s18+$0x0], $0xffff;
	_ =	sdelay $0x5  }
0x67: {  	v2 =	vmul.f32 v3, v2;
	_ =	sdelay $0x1  }
0x68: {  	[tilespmem:v0+s19+$0x0] =	vst.idx.add.f32.msk $0xffff, v2  }
0x69: {  	v2 =	vld.idx.msk [tilespmem:v1+s20+$0x0], $0xffff;
	_ =	sdelay $0x5  }
0x6a: {  	v2 =	vmul.f32 v3, v2;
	_ =	sdelay $0x1  }
0x6b: {  	[tilespmem:v0+s21+$0x0] =	vst.idx.add.f32.msk $0xffff, v2  }
0x6c: {  	v1 =	vld.idx.msk [tilespmem:v1+s22+$0x0], $0xffff;
	_ =	sdelay $0x1  }
.Ltmp1:
0x6d: {  	(pc) =	sbr.rel @p0 .LBB2_4-.Ltmp1, $2  }
0x6e: {  	_ =	sdelay $0x2  }
0x6f: {  	v1 =	vmul.f32 v1, v3  }
0x70: {  	s24 =	sadd.s32 $0x1, s24  }
0x71: {  	p0 =	sne.s32 s24, $0x2A0  }
.Ltmp2:
0x72: {  	_ = 	snop;
	(pc) =	sbr.rel @p0 .LBB2_3-.Ltmp2, $2  }
0x73: {  	_ =	sdelay $0x2  }
0x74: {  	s2 =	sadd.s32 $0x200, s2;
	[tilespmem:v0+s23+$0x0] =	vst.idx.add.f32.msk $0xffff, v1  }
0x75: {  	s2 =	sadd.s32 s7, s3  }
0x76: {  	s24 =	simm.s32 $0x0;
	s8 =	simm.s32 $0x11C00;
	s25 =	simm.s32 $0x1  }
0x77: {  	[hbm4b:s2+s24] =	stream.linear.scatter [tilespmem:s8], [sflag:$0x1], $0x2800, $0x38;
	[tilespmem:$0x1BC00] =	vst v63  }
0x78: {  	_ =	swait.ge [sflag:s25], $0x2800  }
0x79: {  	[sflag:s25] =	ssyncset.done $0x0  }
0x7a: {  	s4 =	sadd.s32 s7, s4;
	s26 =	simm.s32 $0x14400;
	[sflag:s25] =	ssyncadd.s32 $0xFFFFD800  }
0x7b: {  	[hbm4b:s4+s24] =	stream.linear.scatter [tilespmem:s26], [sflag:$0x1], $0x2800, $0x38;
	[tilespmem:$0x1BC00] =	vst v63  }
0x7c: {  	_ =	swait.ge [sflag:s25], $0x2800  }
0x7d: {  	[sflag:s25] =	ssyncset.done $0x0  }
0x7e: {  	s28 =	sadd.s32 s7, s5;
	s29 =	simm.s32 $0x16C00;
	[sflag:s25] =	ssyncadd.s32 $0xFFFFD800  }
0x7f: {  	[hbm4b:s28+s24] =	stream.linear.scatter [tilespmem:s29], [sflag:$0x1], $0x2800, $0x38;
	[tilespmem:$0x1BC00] =	vst v63  }
0x80: {  	_ =	swait.ge [sflag:s25], $0x2800  }
0x81: {  	[sflag:s25] =	ssyncset.done $0x0  }
0x82: {  	s30 =	sadd.s32 s7, s6;
	s31 =	simm.s32 $0x19400;
	[sflag:s25] =	ssyncadd.s32 $0xFFFFD800  }
0x83: {  	[hbm4b:s30+s24] =	stream.linear.scatter [tilespmem:s31], [sflag:$0x1], $0x2800, $0x38;
	[tilespmem:$0x1BC00] =	vst v63  }
0x84: {  	_ =	swait.ge [sflag:s25], $0x2800  }
0x85: {  	[sflag:s25] =	ssyncset.done $0x0  }
0x86: {  	[sflag:s25] =	ssyncadd.s32 $0xFFFFD800  }
0x87: {  	_ =	sfence.sel $0x180000  }
0x88: {  	[bflag:$0x0] =	sbarrier.arrive $0xFFFF  }
0x89: {  	p0 =	sne.s32 s1, $0x0;
	_ =	strace $0x9000004A  }
0x8a: {  	s0 =	sadd.s32 @!p0 $0x100000, s0;
	[bflag:$0x2] =	sbarrier.arrive $0xFFFF  }
0x8b: {  	[sflag:s0] =	ssyncadd.tile.s32 @!p0 $0x1;
	_ =	shalt  }
.Lfunc_end2:
_tile_overlayer_lowered:
.L_overlay_start_2:
0x8c: {  	(tag) =	ssettag $0x2  }
0x8d: {  	s0 =	rddreg [dreg:$0x0];
	s2 =	stileid.u32  }
0x8e: {  	s1 =	rddreg [dreg:$0x1];
	p0 =	sne.s32 s2, $0x0  }
0x8f: {  	s3 =	rddreg [dreg:$0x2];
	[bflag:$0x3] =	sbarrier.arrive $0xFFFF;
	s2 =	simm.s32 @!p0 $0x1C01  }
0x90: {  	[timem:s3], [sflag:s2] =	dma.local @!p0 [hbm:s0], s1  }
0x91: {  	s0 =	simm.s32 @!p0 $0x1  }
0x92: {  	_ =	swait.ge @!p0 [sflag:s0], s1  }
0x93: {  	s1 =	ssub.s32 @!p0 $0x0, s1;
	[sflag:s0] =	ssyncset.done @!p0 $0x0  }
0x94: {  	[sflag:s0] =	ssyncadd.s32 @!p0 s1  }
0x95: {  	[bflag:$0x3] =	sbarrier.arrive $0xFFFF  }
0x96: {  	_ =	shalt  }

// kernel: kernel.18.cloned.1.call-start
scs
__scs_entry_jumppad:
0x0: {  	(pc) =	sbr.rel $0x88, $3  }
0x1: {  	(tag) =	ssettag $0x0;
	lr =	simm.s32 $0x1  }
0x2: {  	[smem:$0x3F8D] =	sst lr;
	_ =	strace $0xD0000000  }
0x3: {  	_ = 	snop  }
0x4: {  	_ = 	snop  }
0x5: {  	_ = 	snop  }
0x6: {  	_ = 	snop  }
0x7: {  	_ = 	snop  }
__scs_overlays_trampoline_lowered:
0x8: {  	[smem:$0x3F9C] =	sst s0  }
0x9: {  	[smem:$0x3F9D] =	sst s1  }
0xa: {  	[smem:$0x3F9E] =	sst s2  }
0xb: {  	[smem:$0x3F9F] =	sst s3  }
0xc: {  	[smem:$0x3FA0] =	sst s4  }
0xd: {  	[smem:$0x3FA1] =	sst s5  }
0xe: {  	[smem:$0x3FA2] =	sst s6  }
0xf: {  	[smem:$0x3FA3] =	sst s7  }
0x10: {  	[smem:$0x3FA4] =	sst s8  }
0x11: {  	[smem:$0x3FA5] =	sst s9;
	s0 =	simm.s32 @!p0 $0x0  }
0x12: {  	s1 =	sld [smem:$0x3F8B];
	s0 =	simm.s32 @p0 $0x1  }
0x13: {  	[smem:$0x3FA6] =	sst s0;
	s0 =	simm.s32 @!p1 $0x0  }
0x14: {  	s2 =	sld [smem:$0x3F8A];
	s0 =	simm.s32 @p1 $0x1  }
0x15: {  	[smem:$0x3FA7] =	sst s0;
	s0 =	simm.s32 @!p2 $0x0  }
0x16: {  	s3 =	sld [smem:$0x3FDB];
	s0 =	simm.s32 @p2 $0x1  }
0x17: {  	s4 =	simm.s32 $0x1BF5;
	[smem:$0x3FA9] =	sst s0  }
0x18: {  	s0 =	sld [smem:$0x3F8C];
	_ =	swait.ge [sflag:s4], $0x0  }
0x19: {  	s7 =	sld [smem:$0x3F8D]  }
0x1a: {  	s8 =	sadd.s32 $0xFFFFE003, lr  }
0x1b: {  	s9 =	sadd.s32 $0xFFFFFEF7, lr;
	s5 =	simm.s32 $0xFFFFFFFF;
	p2 =	slt.u32 s8, $0xFFFFF086  }
0x1c: {  	p1 =	slt.u32 s9, $0xF7A;
	s5 =	simm.s32 @!p2 $0x0  }
0x1d: {  	s5 =	simm.s32 @p1 $0x1;
	p0 =	seq.s32 s7, s2  }
0x1e: {  	s7 =	smul.u32 @!p0 $0xF7A, s2;
	p2 =	seq.s32 @!p0 s5, $0x0  }
0x1f: {  	s9 =	smul.u32 $0xF7A, s1;
	s8 =	simm.s32 @!p0 $0x1BF5;
	p2 =	por !p2, p0  }
0x20: {  	[sflag:s8] =	ssyncset.s32 @!p0 $0xFFFFF086;
	s6 =	sadd.s32 @!p0 s3, s7;
	s7 =	simm.s32 @!p0 $0x108  }
0x21: {  	s3 =	sadd.s32 s3, s9;
	s6 =	sadd.s32 @!p0 $0x88, s6;
	s7 =	simm.s32 @p2 $0x1082  }
0x22: {  	[simem:s7], [sflag:s8] =	dma.local @!p0 [hbm:s6], $0xF7A  }
0x23: {  	s9 =	sor.u32 $0xD0000000, s2;
	s6 =	simm.s32 $0x108;
	_ =	swait.ge @!p0 [sflag:s8], $0x0  }
0x24: {  	s3 =	sadd.s32 $0x88, s3;
	s6 =	simm.s32 @!p1 $0x1082;
	[sflag:s4] =	ssyncset.s32 $0xFFFFF086  }
0x25: {  	[simem:s6], [sflag:s4] =	dma.local [hbm:s3], $0xF7A  }
0x26: {  	[smem:$0x3F8D] =	sst s1;
	(tag) =	ssettag s2;
	_ =	strace s9  }
0x27: {  	s1 =	sld [smem:$0x3F9D]  }
0x28: {  	s2 =	sld [smem:$0x3F9E]  }
0x29: {  	s4 =	sld [smem:$0x3FA0]  }
0x2a: {  	p0 =	seq.s32 s5, $0x0;
	s5 =	sld [smem:$0x3FA1]  }
0x2b: {  	s6 =	sld [smem:$0x3FA2]  }
0x2c: {  	s7 =	sld [smem:$0x3FA3]  }
0x2d: {  	s3 =	simm.s32 $0x108;
	s8 =	sld [smem:$0x3FA4]  }
0x2e: {  	s3 =	simm.s32 @!p0 $0x1082;
	s9 =	sld [smem:$0x3FA5]  }
0x2f: {  	lr =	sadd.s32 s0, s3;
	s0 =	sld [smem:$0x3F9C]  }
0x30: {  	s3 =	sld [smem:$0x3F9F]  }
0x31: {  	[smem:$0x3FA8] =	sst s10  }
0x32: {  	s10 =	sld [smem:$0x3FA6];
	_ =	sdelay $0x3  }
0x33: {  	p0 =	seq.s32 s10, $0x1;
	s10 =	sld [smem:$0x3FA8];
	_ =	sdelay $0x3  }
0x34: {  	[smem:$0x3FA8] =	sst s10  }
0x35: {  	s10 =	sld [smem:$0x3FA7];
	_ =	sdelay $0x3  }
0x36: {  	p1 =	seq.s32 s10, $0x1;
	s10 =	sld [smem:$0x3FA8];
	_ =	sdelay $0x3  }
0x37: {  	[smem:$0x3FA8] =	sst s10  }
0x38: {  	s10 =	sld [smem:$0x3FA9]  }
0x39: {  	_ = 	snop;
	(pc) =	sbr.ind lr, $3  }
0x3a: {  	_ = 	snop  }
0x3b: {  	_ = 	snop  }
0x3c: {  	p2 =	seq.s32 s10, $0x1;
	s10 =	sld [smem:$0x3FA8]  }
0x3d: {  	_ =	shalt  }
0x3e: {  	_ =	shalt  }
0x3f: {  	_ =	shalt  }
0x40: {  	_ =	shalt  }
0x41: {  	_ =	shalt  }
0x42: {  	_ =	shalt  }
0x43: {  	_ =	shalt  }
0x44: {  	_ =	shalt  }
0x45: {  	_ =	shalt  }
0x46: {  	_ =	shalt  }
0x47: {  	_ =	shalt  }
0x48: {  	_ =	shalt  }
0x49: {  	_ =	shalt  }
0x4a: {  	_ =	shalt  }
0x4b: {  	_ =	shalt  }
0x4c: {  	_ =	shalt  }
0x4d: {  	_ =	shalt  }
0x4e: {  	_ =	shalt  }
0x4f: {  	_ =	shalt  }
0x50: {  	_ =	shalt  }
0x51: {  	_ =	shalt  }
0x52: {  	_ =	shalt  }
0x53: {  	_ =	shalt  }
0x54: {  	_ =	shalt  }
0x55: {  	_ =	shalt  }
0x56: {  	_ =	shalt  }
0x57: {  	_ =	shalt  }
0x58: {  	_ =	shalt  }
0x59: {  	_ =	shalt  }
0x5a: {  	_ =	shalt  }
0x5b: {  	_ =	shalt  }
0x5c: {  	_ =	shalt  }
0x5d: {  	_ =	shalt  }
0x5e: {  	_ =	shalt  }
0x5f: {  	_ =	shalt  }
0x60: {  	_ =	shalt  }
0x61: {  	_ =	shalt  }
0x62: {  	_ =	shalt  }
0x63: {  	_ =	shalt  }
0x64: {  	_ =	shalt  }
0x65: {  	_ =	shalt  }
0x66: {  	_ =	shalt  }
0x67: {  	_ =	shalt  }
0x68: {  	_ =	shalt  }
0x69: {  	_ =	shalt  }
0x6a: {  	_ =	shalt  }
0x6b: {  	_ =	shalt  }
0x6c: {  	_ =	shalt  }
0x6d: {  	_ =	shalt  }
0x6e: {  	_ =	shalt  }
0x6f: {  	_ =	shalt  }
0x70: {  	_ =	shalt  }
0x71: {  	_ =	shalt  }
0x72: {  	_ =	shalt  }
0x73: {  	_ =	shalt  }
0x74: {  	_ =	shalt  }
0x75: {  	_ =	shalt  }
0x76: {  	_ =	shalt  }
0x77: {  	_ =	shalt  }
0x78: {  	_ =	shalt  }
0x79: {  	_ =	shalt  }
0x7a: {  	_ =	shalt  }
0x7b: {  	_ =	shalt  }
0x7c: {  	_ =	shalt  }
0x7d: {  	_ =	shalt  }
0x7e: {  	_ =	shalt  }
0x7f: {  	_ =	shalt  }
0x80: {  	_ =	shalt  }
0x81: {  	_ =	shalt  }
0x82: {  	_ =	shalt  }
0x83: {  	_ =	shalt  }
0x84: {  	_ =	shalt  }
0x85: {  	_ =	shalt  }
0x86: {  	_ =	shalt  }
0x87: {  	_ =	shalt  }
.Lfunc_end0:
.L_simem_size_0:
called_computation.2_lowered:
.L_overlay_start_0:
0x88: {  	s0 =	sld [smem:$0x3FD9]  }
0x89: {  	s1 =	sld [smem:$0x3FFE];
	_ =	sdelay $0x3  }
0x8a: {  	s0 =	sadd.s32 s1, s0  }
0x8b: {  	[smem:$0x3FB4] =	sst s0  }
0x8c: {  	_ = 	snop  }
0x8d: {  	(tm) =	ssettm $0x1  }
0x8e: {  	s15 =	sld [smem:$0x3FFB];
	_ =	sdelay $0x3  }
0x8f: {  	_ =	strace s15  }
0x90: {  	s0 =	sld [smem:$0x3FFC];
	_ =	sdelay $0x3  }
0x91: {  	_ =	strace s0  }
0x92: {  	s0 =	sld [smem:$0x3FFD];
	_ =	sdelay $0x3  }
0x93: {  	_ =	strace s0  }
0x94: {  	_ =	strace $0x8FFFFFFF  }
0x95: {  	s16 =	sld [smem:$0x3FDB];
	_ =	sdelay $0x1  }
0x96: {  	s17 =	simm.s32 $_scs_section_size  }
0x97: {  	s2 =	simm.s32 $_size__tile_overlayer_lowered;
	s3 =	simm.s32 $_tile_overlayer_lowered  }
0x98: {  	s20 =	simm.s32 $0x1BFF;
	s19 =	sshll.u32 s3, $0x1;
	s0 =	sadd.s32 s17, s16  }
0x99: {  	s4 =	simm.s32 $0x0;
	s18 =	sshll.u32 s2, $0x1;
	s2 =	sadd.s32 s19, s0  }
0x9a: {  	[timem:s4], [sflag:s20] =	dma.local [hbm:s2], s18  }
0x9b: {  	_ =	swait.ge [sflag:s20], s18  }
0x9c: {  	s1 =	ssub.s32 $0x0, s18;
	[sflag:s20] =	ssyncset.done $0x0  }
0x9d: {  	[sflag:s20] =	ssyncadd.s32 s1;
	_ =	sdelay $0x1  }
0x9e: {  	s21 =	simm.s32 $0x1B8B  }
0x9f: {  	_ =	swait.ge [sflag:s21], $0x1  }
0xa0: {  	[sflag:s21] =	ssyncset.done $0x0  }
0xa1: {  	s23 =	simm.s32 $0x1B8E;
	s22 =	sld [smem:$0x3FFE];
	[sflag:s21] =	ssyncadd.s32 $0xFFFFFFFF  }
0xa2: {  	s24 =	simm.s32 $execute0_lowered;
	[smem:$0x3FD2] =	sst s23  }
0xa3: {  	s2 =	sshll.u32 s24, $0x1;
	_ =	strace $0x8000004C;
	[dreg:$0x1] =	wrdreg $0xFFFFFFFF  }
0xa4: {  	s25 =	simm.s32 $_size_execute0_lowered;
	s0 =	sadd.s32 s0, s2;
	[dreg:$0x0] =	wrdreg $0x0  }
0xa5: {  	s2 =	sshll.u32 s25, $0x1;
	[dreg:$0x2] =	wrdreg s0  }
0xa6: {  	[dreg:$0x3] =	wrdreg s2  }
0xa7: {  	[dreg:$0x4] =	wrdreg $0xC0  }
0xa8: {  	_ =	task [dreg:s4], $0x5FFFF  }
0xa9: {  	[dreg:$0x1] =	wrdreg $0xFFFFFFFF  }
0xaa: {  	[dreg:$0x0] =	wrdreg $0x60  }
0xab: {  	[dreg:$0x2] =	wrdreg s22  }
0xac: {  	[dreg:$0x3] =	wrdreg $0x9  }
0xad: {  	_ =	task.clear_ibuf [dreg:s4], $0x4FFFF;
	_ =	strace $0x9000004C  }
0xae: {  	s26 =	simm.s32 $0x9;
	_ =	strace $0x8000004E  }
0xaf: {  	_ =	swait.ge [sflag:s26], $0x1  }
0xb0: {  	[sflag:s26] =	ssyncadd.s32 $0xFFFFFFFF  }
0xb1: {  	_ =	strace $0x9000004E  }
0xb2: {  	_ =	sfence  }
0xb3: {  	s28 =	sld [smem:$0x0];
	_ =	sdelay $0x1  }
0xb4: {  	s29 =	srdreg.scid  }
0xb5: {  	s30 =	sshll.u32 s29, $0xD;
	s31 =	sshrl.u32 s29, $0x2  }
0xb6: {  	s1 =	sand.u32 $0x1, s29;
	s2 =	sand.u32 $0x4000, s30;
	s0 =	sadd.s32 s31, s28  }
0xb7: {  	s1 =	sor.u32 s2, s1;
	s0 =	sshll.u32 s0, $0x11  }
0xb8: {  	s0 =	sor.u32 s0, s1  }
0xb9: {  	s0 =	sadd.s32 $0x8F2B, s0  }
0xba: {  	[sflag:s0] =	ssyncadd.remote.s32 $0x1  }
0xbb: {  	_ =	sfence.sel $0xFFFF  }
0xbc: {  	[dreg:$0x0] =	wrdreg $0xFFFFFFFF;
	(pc) =	sbr.abs _section_cstart, $3  }
0xbd: {  	[dreg:$0x1] =	wrdreg $0xFFFFFFFF  }
0xbe: {  	_ =	task.clear_ibuf [dreg:s4], $0x2FFFF;
	_ =	strace $0x9FFFFFFF  }
0xbf: {  	(tm) =	ssettm $0x7FFFFFFF  }
tec
execute0_lowered:
.L_overlay_start_1:
0x0: {  	(tag) =	ssettag $0x1  }
0x1: {  	s1 =	rddreg [dreg:$0x0]  }
0x2: {  	s0 =	rddreg [dreg:$0x1];
	s2 =	simm.s32 $0x0  }
0x3: {  	[smem:$0x7FF] =	sst s2  }
0x4: {  	s5 =	simm.s32 $0x1;
	s3 =	sadd.s32 $0x19400, s1;
	_ =	strace $0x8000004D  }
0x5: {  	[tilespmem:s2], [sflag:$0x1] =	stream.linear.gather [hbm4b:s3+s2], $0x2800, $0x38;
	[tilespmem:$0x7C00] =	vst v63  }
0x6: {  	_ =	swait.ge [sflag:s5], $0x2800  }
0x7: {  	[sflag:s5] =	ssyncset.done $0x0  }
0x8: {  	s4 =	simm.s32 $0x2800;
	s31 =	sadd.s32 $0x19A00, s1;
	[sflag:s5] =	ssyncadd.s32 $0xFFFFD800  }
0x9: {  	[tilespmem:s4], [sflag:$0x1] =	stream.linear.gather [hbm4b:s31+s2], $0x2800, $0x38;
	[tilespmem:$0x7C00] =	vst v63  }
0xa: {  	s10 =	simm.s32 $0x0;
	s3 =	sadd.s32 $0x1A000, s1;
	_ =	swait.ge [sflag:s5], $0x2800  }
0xb: {  	s2 =	sadd.s32 $0x4400, s1;
	s4 =	sadd.s32 $0xEC00, s1;
	[sflag:s5] =	ssyncset.done $0x0  }
0xc: {  	v0 =	vimm.f32 $0.0e+00;
	s1 =	stileid.u32;
	[sflag:s5] =	ssyncadd.s32 $0xFFFFD800;
	s5 =	simm.s32 $0x40  }
.LBB2_1:
0xd: {  	p0 =	sne.s32 s5, $0x9FC0;
	[tilespmem:s10+$0x5000] =	vst v0;
	s6 =	smov.u32 s5;
	s5 =	sadd.s32 $0x40, s5  }
.Ltmp0:
0xe: {  	(pc) =	sbr.rel @p0 .LBB2_1-.Ltmp0, $2  }
0xf: {  	_ =	sdelay $0x2  }
0x10: {  	s10 =	sshra.s32 s6, $0x2  }
0x11: {  	s5 =	smul.u32 $0x5400, s1;
	s6 =	simm.s32 $0x0;
	s7 =	simm.s32 $0x7800  }
0x12: {  	s8 =	simm.s32 $0x1;
	s9 =	simm.s32 $0x7A00;
	[tilespmem:s10+$0x5000] =	vst v0;
	s10 =	simm.s32 $0x2800  }
0x13: {  	s11 =	simm.s32 $0x5000;
	s13 =	simm.s32 $0x0;
	s12 =	smov.u32 s5  }
.LBB2_3:
0x14: {  	s14 =	sshll.u32 s13, $0x9  }
0x15: {  	s14 =	sadd.s32 s5, s14  }
0x16: {  	s14 =	sshrl.u32 s14, $0x3  }
0x17: {  	s15 =	sadd.s32 s2, s14  }
0x18: {  	[tilespmem:s7], [sflag:$0x1] =	stream.linear.gather [hbm4b:s15+s6], $0x200, $0x38;
	[tilespmem:$0x7C00] =	vst v63  }
0x19: {  	_ =	swait.ge [sflag:s8], $0x200  }
0x1a: {  	[sflag:s8] =	ssyncset.done $0x0  }
0x1b: {  	s14 =	sadd.s32 s4, s14;
	[sflag:s8] =	ssyncadd.s32 $0xFFFFFE00  }
0x1c: {  	[tilespmem:s9], [sflag:$0x1] =	stream.linear.gather [hbm4b:s14+s6], $0x200, $0x38;
	[tilespmem:$0x7C00] =	vst v63  }
0x1d: {  	_ =	swait.ge [sflag:s8], $0x200  }
0x1e: {  	[sflag:s8] =	ssyncset.done $0x0  }
0x1f: {  	s31 =	simm.s32 $0x0;
	[sflag:s8] =	ssyncadd.s32 $0xFFFFFE00  }
0x20: {  	v0 =	vld [tilespmem:s31+$0x7A00]  }
0x21: {  	v1 =	vld [tilespmem:s31+$0x7800];
	_ =	sdelay $0x6  }
0x22: {  	v2 =	vld.idx.msk [tilespmem:v0+s10+$0x0], $0xffff  }
0x23: {  	v1 =	vld.idx.msk [tilespmem:v1+s6+$0x0], $0xffff;
	_ =	sdelay $0x4  }
0x24: {  	v1 =	vadd.f32 v2, v1;
	_ =	sdelay $0x1  }
0x25: {  	v2 =	vmul.f32 $2.000000030e-01, v1  }
0x26: {  	vm0 =	vlt.f32 v1, $0.0e+00  }
0x27: {  	v1 =	vsel vm0, v2, v1  }
0x28: {  	v1 =	vmul.f32 $1.442695020e+00, v1;
	_ =	sdelay $0x1  }
0x29: {  	(erf) = vpow2.f32 v1;
	_ =	sdelay $0x8  }
0x2a: {  	p0 =	slt.u32 s12, $0x50910;
	v1 =	vpop (erf)  }
0x2b: {  	v1 =	vpsel !p0, $0x0, v1  }
0x2c: {  	s16 =	simm.s32 $0x10;
	[tilespmem:v0+s11+$0x0] =	vst.idx.add.f32.msk $0xffff, v1  }
0x2d: {  	s15 =	simm.s32 $0x80;
	s14 =	smov.u32 s12;
	v0 =	vld [tilespmem:s16+$0x7A00]  }
.LBB2_4:
0x2e: {  	p0 =	sne.s32 s15, $0x7C0;
	v1 =	vld [tilespmem:s16+$0x7800];
	_ =	sdelay $0x6  }
0x2f: {  	v2 =	vld.idx.msk [tilespmem:v0+s10+$0x0], $0xffff  }
0x30: {  	v1 =	vld.idx.msk [tilespmem:v1+s6+$0x0], $0xffff;
	_ =	sdelay $0x5  }
0x31: {  	v1 =	vadd.f32 v2, v1;
	_ =	sdelay $0x1  }
0x32: {  	v2 =	vmul.f32 $2.000000030e-01, v1  }
0x33: {  	vm0 =	vlt.f32 v1, $0.0e+00  }
0x34: {  	v1 =	vsel vm0, v2, v1  }
0x35: {  	v1 =	vmul.f32 $1.442695020e+00, v1;
	_ =	sdelay $0x1  }
0x36: {  	(erf) = vpow2.f32 v1;
	_ =	sdelay $0x7  }
.Ltmp1:
0x37: {  	s14 =	sadd.s32 $0x10, s14;
	(pc) =	sbr.rel @p0 .LBB2_4-.Ltmp1, $4  }
0x38: {  	p1 =	slt.u32 s14, $0x50910;
	v1 =	vpop (erf)  }
0x39: {  	v1 =	vpsel !p1, $0x0, v1  }
0x3a: {  	s16 =	sshra.s32 s15, $0x2;
	[tilespmem:v0+s11+$0x0] =	vst.idx.add.f32.msk $0xffff, v1  }
0x3b: {  	s15 =	sadd.s32 $0x40, s15;
	v0 =	vld [tilespmem:s16+$0x7A00]  }
0x3c: {  	_ = 	snop  }
0x3d: {  	v1 =	vld [tilespmem:s16+$0x7800];
	_ =	sdelay $0x6  }
0x3e: {  	v2 =	vld.idx.msk [tilespmem:v0+s10+$0x0], $0xffff  }
0x3f: {  	v1 =	vld.idx.msk [tilespmem:v1+s6+$0x0], $0xffff;
	_ =	sdelay $0x4  }
0x40: {  	v1 =	vadd.f32 v2, v1;
	_ =	sdelay $0x1  }
0x41: {  	v2 =	vmul.f32 $2.000000030e-01, v1  }
0x42: {  	vm0 =	vlt.f32 v1, $0.0e+00  }
0x43: {  	v1 =	vsel vm0, v2, v1  }
0x44: {  	v1 =	vmul.f32 $1.442695020e+00, v1;
	_ =	sdelay $0x1  }
0x45: {  	(erf) = vpow2.f32 v1;
	_ =	sdelay $0x7  }
0x46: {  	s14 =	sadd.s32 $0x10, s14  }
0x47: {  	s13 =	sadd.s32 $0x1, s13;
	p0 =	slt.u32 s14, $0x50910;
	v1 =	vpop (erf)  }
0x48: {  	v1 =	vpsel !p0, $0x0, v1;
	p0 =	sne.s32 s13, $0x2A  }
.Ltmp2:
0x49: {  	_ = 	snop;
	(pc) =	sbr.rel @p0 .LBB2_3-.Ltmp2, $2  }
0x4a: {  	_ =	sdelay $0x2  }
0x4b: {  	s12 =	sadd.s32 $0x200, s12;
	[tilespmem:v0+s11+$0x0] =	vst.idx.add.f32.msk $0xffff, v1  }
0x4c: {  	s2 =	smul.u32 $0x500, s1  }
0x4d: {  	s30 =	simm.s32 $0x0  }
0x4e: {  	s4 =	simm.s32 $0x5000;
	s31 =	simm.s32 $0x1;
	s2 =	sadd.s32 s3, s2  }
0x4f: {  	[hbm4b:s2+s30] =	stream.linear.scatter [tilespmem:s4], [sflag:$0x1], $0x2800, $0x38;
	[tilespmem:$0x7C00] =	vst v63  }
0x50: {  	_ =	swait.ge [sflag:s31], $0x2800  }
0x51: {  	[sflag:s31] =	ssyncset.done $0x0  }
0x52: {  	[sflag:s31] =	ssyncadd.s32 $0xFFFFD800  }
0x53: {  	_ =	sfence.sel $0x180000  }
0x54: {  	[bflag:$0x0] =	sbarrier.arrive $0xFFFF  }
0x55: {  	p0 =	sne.s32 s1, $0x0;
	_ =	strace $0x9000004D  }
0x56: {  	s0 =	sadd.s32 @!p0 $0x100000, s0;
	[bflag:$0x2] =	sbarrier.arrive $0xFFFF  }
0x57: {  	[sflag:s0] =	ssyncadd.tile.s32 @!p0 $0x1;
	_ =	shalt  }
.Lfunc_end2:
_tile_overlayer_lowered:
.L_overlay_start_2:
0x58: {  	(tag) =	ssettag $0x2  }
0x59: {  	s0 =	rddreg [dreg:$0x0];
	s2 =	stileid.u32  }
0x5a: {  	s1 =	rddreg [dreg:$0x1];
	p0 =	sne.s32 s2, $0x0  }
0x5b: {  	s3 =	rddreg [dreg:$0x2];
	[bflag:$0x3] =	sbarrier.arrive $0xFFFF;
	s2 =	simm.s32 @!p0 $0x1C01  }
0x5c: {  	[timem:s3], [sflag:s2] =	dma.local @!p0 [hbm:s0], s1  }
0x5d: {  	s0 =	simm.s32 @!p0 $0x1  }
0x5e: {  	_ =	swait.ge @!p0 [sflag:s0], s1  }
0x5f: {  	s1 =	ssub.s32 @!p0 $0x0, s1;
	[sflag:s0] =	ssyncset.done @!p0 $0x0  }
0x60: {  	[sflag:s0] =	ssyncadd.s32 @!p0 s1  }
0x61: {  	[bflag:$0x3] =	sbarrier.arrive $0xFFFF  }
0x62: {  	_ =	shalt  }

// kernel: kernel.21.cloned.1.call-start
scs
__scs_entry_jumppad:
0x0: {  	(pc) =	sbr.rel $0x88, $3  }
0x1: {  	(tag) =	ssettag $0x0;
	lr =	simm.s32 $0x1  }
0x2: {  	[smem:$0x3F8D] =	sst lr;
	_ =	strace $0xD0000000  }
0x3: {  	_ = 	snop  }
0x4: {  	_ = 	snop  }
0x5: {  	_ = 	snop  }
0x6: {  	_ = 	snop  }
0x7: {  	_ = 	snop  }
__scs_overlays_trampoline_lowered:
0x8: {  	[smem:$0x3F9C] =	sst s0  }
0x9: {  	[smem:$0x3F9D] =	sst s1  }
0xa: {  	[smem:$0x3F9E] =	sst s2  }
0xb: {  	[smem:$0x3F9F] =	sst s3  }
0xc: {  	[smem:$0x3FA0] =	sst s4  }
0xd: {  	[smem:$0x3FA1] =	sst s5  }
0xe: {  	[smem:$0x3FA2] =	sst s6  }
0xf: {  	[smem:$0x3FA3] =	sst s7  }
0x10: {  	[smem:$0x3FA4] =	sst s8  }
0x11: {  	[smem:$0x3FA5] =	sst s9;
	s0 =	simm.s32 @!p0 $0x0  }
0x12: {  	s1 =	sld [smem:$0x3F8B];
	s0 =	simm.s32 @p0 $0x1  }
0x13: {  	[smem:$0x3FA6] =	sst s0;
	s0 =	simm.s32 @!p1 $0x0  }
0x14: {  	s2 =	sld [smem:$0x3F8A];
	s0 =	simm.s32 @p1 $0x1  }
0x15: {  	[smem:$0x3FA7] =	sst s0;
	s0 =	simm.s32 @!p2 $0x0  }
0x16: {  	s3 =	sld [smem:$0x3FDB];
	s0 =	simm.s32 @p2 $0x1  }
0x17: {  	s4 =	simm.s32 $0x1BF5;
	[smem:$0x3FA9] =	sst s0  }
0x18: {  	s0 =	sld [smem:$0x3F8C];
	_ =	swait.ge [sflag:s4], $0x0  }
0x19: {  	s7 =	sld [smem:$0x3F8D]  }
0x1a: {  	s8 =	sadd.s32 $0xFFFFE003, lr  }
0x1b: {  	s9 =	sadd.s32 $0xFFFFFEF7, lr;
	s5 =	simm.s32 $0xFFFFFFFF;
	p2 =	slt.u32 s8, $0xFFFFF086  }
0x1c: {  	p1 =	slt.u32 s9, $0xF7A;
	s5 =	simm.s32 @!p2 $0x0  }
0x1d: {  	s5 =	simm.s32 @p1 $0x1;
	p0 =	seq.s32 s7, s2  }
0x1e: {  	s7 =	smul.u32 @!p0 $0xF7A, s2;
	p2 =	seq.s32 @!p0 s5, $0x0  }
0x1f: {  	s9 =	smul.u32 $0xF7A, s1;
	s8 =	simm.s32 @!p0 $0x1BF5;
	p2 =	por !p2, p0  }
0x20: {  	[sflag:s8] =	ssyncset.s32 @!p0 $0xFFFFF086;
	s6 =	sadd.s32 @!p0 s3, s7;
	s7 =	simm.s32 @!p0 $0x108  }
0x21: {  	s3 =	sadd.s32 s3, s9;
	s6 =	sadd.s32 @!p0 $0x88, s6;
	s7 =	simm.s32 @p2 $0x1082  }
0x22: {  	[simem:s7], [sflag:s8] =	dma.local @!p0 [hbm:s6], $0xF7A  }
0x23: {  	s9 =	sor.u32 $0xD0000000, s2;
	s6 =	simm.s32 $0x108;
	_ =	swait.ge @!p0 [sflag:s8], $0x0  }
0x24: {  	s3 =	sadd.s32 $0x88, s3;
	s6 =	simm.s32 @!p1 $0x1082;
	[sflag:s4] =	ssyncset.s32 $0xFFFFF086  }
0x25: {  	[simem:s6], [sflag:s4] =	dma.local [hbm:s3], $0xF7A  }
0x26: {  	[smem:$0x3F8D] =	sst s1;
	(tag) =	ssettag s2;
	_ =	strace s9  }
0x27: {  	s1 =	sld [smem:$0x3F9D]  }
0x28: {  	s2 =	sld [smem:$0x3F9E]  }
0x29: {  	s4 =	sld [smem:$0x3FA0]  }
0x2a: {  	p0 =	seq.s32 s5, $0x0;
	s5 =	sld [smem:$0x3FA1]  }
0x2b: {  	s6 =	sld [smem:$0x3FA2]  }
0x2c: {  	s7 =	sld [smem:$0x3FA3]  }
0x2d: {  	s3 =	simm.s32 $0x108;
	s8 =	sld [smem:$0x3FA4]  }
0x2e: {  	s3 =	simm.s32 @!p0 $0x1082;
	s9 =	sld [smem:$0x3FA5]  }
0x2f: {  	lr =	sadd.s32 s0, s3;
	s0 =	sld [smem:$0x3F9C]  }
0x30: {  	s3 =	sld [smem:$0x3F9F]  }
0x31: {  	[smem:$0x3FA8] =	sst s10  }
0x32: {  	s10 =	sld [smem:$0x3FA6];
	_ =	sdelay $0x3  }
0x33: {  	p0 =	seq.s32 s10, $0x1;
	s10 =	sld [smem:$0x3FA8];
	_ =	sdelay $0x3  }
0x34: {  	[smem:$0x3FA8] =	sst s10  }
0x35: {  	s10 =	sld [smem:$0x3FA7];
	_ =	sdelay $0x3  }
0x36: {  	p1 =	seq.s32 s10, $0x1;
	s10 =	sld [smem:$0x3FA8];
	_ =	sdelay $0x3  }
0x37: {  	[smem:$0x3FA8] =	sst s10  }
0x38: {  	s10 =	sld [smem:$0x3FA9]  }
0x39: {  	_ = 	snop;
	(pc) =	sbr.ind lr, $3  }
0x3a: {  	_ = 	snop  }
0x3b: {  	_ = 	snop  }
0x3c: {  	p2 =	seq.s32 s10, $0x1;
	s10 =	sld [smem:$0x3FA8]  }
0x3d: {  	_ =	shalt  }
0x3e: {  	_ =	shalt  }
0x3f: {  	_ =	shalt  }
0x40: {  	_ =	shalt  }
0x41: {  	_ =	shalt  }
0x42: {  	_ =	shalt  }
0x43: {  	_ =	shalt  }
0x44: {  	_ =	shalt  }
0x45: {  	_ =	shalt  }
0x46: {  	_ =	shalt  }
0x47: {  	_ =	shalt  }
0x48: {  	_ =	shalt  }
0x49: {  	_ =	shalt  }
0x4a: {  	_ =	shalt  }
0x4b: {  	_ =	shalt  }
0x4c: {  	_ =	shalt  }
0x4d: {  	_ =	shalt  }
0x4e: {  	_ =	shalt  }
0x4f: {  	_ =	shalt  }
0x50: {  	_ =	shalt  }
0x51: {  	_ =	shalt  }
0x52: {  	_ =	shalt  }
0x53: {  	_ =	shalt  }
0x54: {  	_ =	shalt  }
0x55: {  	_ =	shalt  }
0x56: {  	_ =	shalt  }
0x57: {  	_ =	shalt  }
0x58: {  	_ =	shalt  }
0x59: {  	_ =	shalt  }
0x5a: {  	_ =	shalt  }
0x5b: {  	_ =	shalt  }
0x5c: {  	_ =	shalt  }
0x5d: {  	_ =	shalt  }
0x5e: {  	_ =	shalt  }
0x5f: {  	_ =	shalt  }
0x60: {  	_ =	shalt  }
0x61: {  	_ =	shalt  }
0x62: {  	_ =	shalt  }
0x63: {  	_ =	shalt  }
0x64: {  	_ =	shalt  }
0x65: {  	_ =	shalt  }
0x66: {  	_ =	shalt  }
0x67: {  	_ =	shalt  }
0x68: {  	_ =	shalt  }
0x69: {  	_ =	shalt  }
0x6a: {  	_ =	shalt  }
0x6b: {  	_ =	shalt  }
0x6c: {  	_ =	shalt  }
0x6d: {  	_ =	shalt  }
0x6e: {  	_ =	shalt  }
0x6f: {  	_ =	shalt  }
0x70: {  	_ =	shalt  }
0x71: {  	_ =	shalt  }
0x72: {  	_ =	shalt  }
0x73: {  	_ =	shalt  }
0x74: {  	_ =	shalt  }
0x75: {  	_ =	shalt  }
0x76: {  	_ =	shalt  }
0x77: {  	_ =	shalt  }
0x78: {  	_ =	shalt  }
0x79: {  	_ =	shalt  }
0x7a: {  	_ =	shalt  }
0x7b: {  	_ =	shalt  }
0x7c: {  	_ =	shalt  }
0x7d: {  	_ =	shalt  }
0x7e: {  	_ =	shalt  }
0x7f: {  	_ =	shalt  }
0x80: {  	_ =	shalt  }
0x81: {  	_ =	shalt  }
0x82: {  	_ =	shalt  }
0x83: {  	_ =	shalt  }
0x84: {  	_ =	shalt  }
0x85: {  	_ =	shalt  }
0x86: {  	_ =	shalt  }
0x87: {  	_ =	shalt  }
.Lfunc_end0:
.L_simem_size_0:
called_computation.3_lowered:
.L_overlay_start_0:
0x88: {  	s0 =	sld [smem:$0x3FD9]  }
0x89: {  	s1 =	sld [smem:$0x3FFE];
	_ =	sdelay $0x3  }
0x8a: {  	s0 =	sadd.s32 s1, s0  }
0x8b: {  	[smem:$0x3FB4] =	sst s0  }
0x8c: {  	_ = 	snop  }
0x8d: {  	(tm) =	ssettm $0x1  }
0x8e: {  	s15 =	sld [smem:$0x3FFB];
	_ =	sdelay $0x3  }
0x8f: {  	_ =	strace s15  }
0x90: {  	s0 =	sld [smem:$0x3FFC];
	_ =	sdelay $0x3  }
0x91: {  	_ =	strace s0  }
0x92: {  	s0 =	sld [smem:$0x3FFD];
	_ =	sdelay $0x3  }
0x93: {  	_ =	strace s0  }
0x94: {  	_ =	strace $0x8FFFFFFF  }
0x95: {  	s16 =	sld [smem:$0x3FDB];
	_ =	sdelay $0x1  }
0x96: {  	s17 =	simm.s32 $_scs_section_size  }
0x97: {  	s2 =	simm.s32 $_size__tile_overlayer_lowered;
	s3 =	simm.s32 $_tile_overlayer_lowered  }
0x98: {  	s20 =	simm.s32 $0x1BFF;
	s19 =	sshll.u32 s3, $0x1;
	s0 =	sadd.s32 s17, s16  }
0x99: {  	s4 =	simm.s32 $0x0;
	s18 =	sshll.u32 s2, $0x1;
	s2 =	sadd.s32 s19, s0  }
0x9a: {  	[timem:s4], [sflag:s20] =	dma.local [hbm:s2], s18  }
0x9b: {  	_ =	swait.ge [sflag:s20], s18  }
0x9c: {  	s1 =	ssub.s32 $0x0, s18;
	[sflag:s20] =	ssyncset.done $0x0  }
0x9d: {  	[sflag:s20] =	ssyncadd.s32 s1;
	_ =	sdelay $0x1  }
0x9e: {  	s21 =	simm.s32 $0x1B8B  }
0x9f: {  	_ =	swait.ge [sflag:s21], $0x1  }
0xa0: {  	[sflag:s21] =	ssyncset.done $0x0  }
0xa1: {  	s23 =	simm.s32 $0x1B8E;
	s22 =	sld [smem:$0x3FFE];
	[sflag:s21] =	ssyncadd.s32 $0xFFFFFFFF  }
0xa2: {  	s24 =	simm.s32 $execute0_lowered;
	[smem:$0x3FD2] =	sst s23  }
0xa3: {  	s2 =	sshll.u32 s24, $0x1;
	_ =	strace $0x8000004F;
	[dreg:$0x1] =	wrdreg $0xFFFFFFFF  }
0xa4: {  	s25 =	simm.s32 $_size_execute0_lowered;
	s0 =	sadd.s32 s0, s2;
	[dreg:$0x0] =	wrdreg $0x0  }
0xa5: {  	s2 =	sshll.u32 s25, $0x1;
	[dreg:$0x2] =	wrdreg s0  }
0xa6: {  	[dreg:$0x3] =	wrdreg s2  }
0xa7: {  	[dreg:$0x4] =	wrdreg $0xC0  }
0xa8: {  	_ =	task [dreg:s4], $0x5FFFF  }
0xa9: {  	[dreg:$0x1] =	wrdreg $0xFFFFFFFF  }
0xaa: {  	[dreg:$0x0] =	wrdreg $0x60  }
0xab: {  	[dreg:$0x2] =	wrdreg s22  }
0xac: {  	[dreg:$0x3] =	wrdreg $0x9  }
0xad: {  	_ =	task.clear_ibuf [dreg:s4], $0x4FFFF;
	_ =	strace $0x9000004F  }
0xae: {  	s26 =	simm.s32 $0x9;
	_ =	strace $0x80000051  }
0xaf: {  	_ =	swait.ge [sflag:s26], $0x1  }
0xb0: {  	[sflag:s26] =	ssyncadd.s32 $0xFFFFFFFF  }
0xb1: {  	_ =	strace $0x90000051  }
0xb2: {  	_ =	sfence  }
0xb3: {  	s28 =	sld [smem:$0x0];
	_ =	sdelay $0x1  }
0xb4: {  	s29 =	srdreg.scid  }
0xb5: {  	s30 =	sshll.u32 s29, $0xD;
	s31 =	sshrl.u32 s29, $0x2  }
0xb6: {  	s1 =	sand.u32 $0x1, s29;
	s2 =	sand.u32 $0x4000, s30;
	s0 =	sadd.s32 s31, s28  }
0xb7: {  	s1 =	sor.u32 s2, s1;
	s0 =	sshll.u32 s0, $0x11  }
0xb8: {  	s0 =	sor.u32 s0, s1  }
0xb9: {  	s0 =	sadd.s32 $0x8F2B, s0  }
0xba: {  	[sflag:s0] =	ssyncadd.remote.s32 $0x1  }
0xbb: {  	_ =	sfence.sel $0xFFFF  }
0xbc: {  	[dreg:$0x0] =	wrdreg $0xFFFFFFFF;
	(pc) =	sbr.abs _section_cstart, $3  }
0xbd: {  	[dreg:$0x1] =	wrdreg $0xFFFFFFFF  }
0xbe: {  	_ =	task.clear_ibuf [dreg:s4], $0x2FFFF;
	_ =	strace $0x9FFFFFFF  }
0xbf: {  	(tm) =	ssettm $0x7FFFFFFF  }
tec
execute0_lowered:
.L_overlay_start_1:
0x0: {  	(tag) =	ssettag $0x1  }
0x1: {  	s5 =	rddreg [dreg:$0x0]  }
0x2: {  	s0 =	rddreg [dreg:$0x1];
	s2 =	simm.s32 $0x0  }
0x3: {  	[smem:$0x7FF] =	sst s2  }
0x4: {  	s8 =	simm.s32 $0x1;
	s1 =	sadd.s32 $0x19400, s5;
	_ =	strace $0x80000050  }
0x5: {  	[tilespmem:s2], [sflag:$0x1] =	stream.linear.gather [hbm4b:s1+s2], $0x2800, $0x38;
	[tilespmem:$0x11C00] =	vst v63  }
0x6: {  	_ =	swait.ge [sflag:s8], $0x2800  }
0x7: {  	[sflag:s8] =	ssyncset.done $0x0  }
0x8: {  	s3 =	simm.s32 $0x2800;
	s26 =	sadd.s32 $0x19A00, s5;
	[sflag:s8] =	ssyncadd.s32 $0xFFFFD800  }
0x9: {  	[tilespmem:s3], [sflag:$0x1] =	stream.linear.gather [hbm4b:s26+s2], $0x2800, $0x38;
	[tilespmem:$0x11C00] =	vst v63  }
0xa: {  	_ =	swait.ge [sflag:s8], $0x2800  }
0xb: {  	s6 =	simm.s32 $0x5000;
	[sflag:s8] =	ssyncset.done $0x0  }
0xc: {  	s4 =	sadd.s32 $0x1A000, s5;
	s1 =	stileid.u32;
	[sflag:s8] =	ssyncadd.s32 $0xFFFFD800  }
0xd: {  	[tilespmem:s6], [sflag:$0x1] =	stream.linear.gather [hbm4b:s4+s2], $0x2800, $0x38;
	[tilespmem:$0x11C00] =	vst v63  }
0xe: {  	s3 =	smul.u32 $0xA00, s1;
	_ =	swait.ge [sflag:s8], $0x2800  }
0xf: {  	s9 =	simm.s32 $0x7C00;
	s28 =	sadd.s32 $0x1F000, s5;
	[sflag:s8] =	ssyncset.done $0x0  }
0x10: {  	s7 =	smul.u32 $0x5000, s1;
	s29 =	sadd.s32 s28, s3;
	[sflag:s8] =	ssyncadd.s32 $0xFFFFD800  }
0x11: {  	[tilespmem:s9], [sflag:$0x1] =	stream.linear.gather [hbm4b:s29+s2], $0x2800, $0x38;
	[tilespmem:$0x11C00] =	vst v63  }
0x12: {  	s30 =	sshrl.u32 s7, $0x3;
	_ =	swait.ge [sflag:s8], $0x2800  }
0x13: {  	s4 =	sadd.s32 $0x500, s30;
	[sflag:s8] =	ssyncset.done $0x0  }
0x14: {  	s31 =	simm.s32 $0xA400;
	s6 =	sadd.s32 s28, s4;
	[sflag:s8] =	ssyncadd.s32 $0xFFFFD800  }
0x15: {  	[tilespmem:s31], [sflag:$0x1] =	stream.linear.gather [hbm4b:s6+s2], $0x2800, $0x38;
	[tilespmem:$0x11C00] =	vst v63  }
0x16: {  	_ =	swait.ge [sflag:s8], $0x2800  }
0x17: {  	s7 =	sadd.s32 $0xEC00, s5;
	s6 =	sadd.s32 $0x4400, s5;
	[sflag:s8] =	ssyncset.done $0x0  }
0x18: {  	v0 =	vimm.f32 $0.0e+00;
	s5 =	sadd.s32 $0x29000, s5;
	[sflag:s8] =	ssyncadd.s32 $0xFFFFD800;
	s8 =	simm.s32 $0x0  }
.LBB2_1:
0x19: {  	p0 =	sne.s32 s8, $0x9FC0  }
.Ltmp0:
0x1a: {  	_ = 	snop;
	(pc) =	sbr.rel @p0 .LBB2_1-.Ltmp0, $4  }
0x1b: {  	_ = 	snop  }
0x1c: {  	s9 =	sshra.s32 s8, $0x2  }
0x1d: {  	[tilespmem:s9+$0xCC00] =	vst v0  }
0x1e: {  	s8 =	sadd.s32 $0x40, s8;
	[tilespmem:s9+$0xF400] =	vst v0  }
0x1f: {  	s8 =	simm.s32 $0x7800;
	s9 =	simm.s32 $0x1  }
0x20: {  	s10 =	simm.s32 $0x7A00;
	s11 =	simm.s32 $0x0;
	s12 =	simm.s32 $0x2800  }
0x21: {  	s13 =	simm.s32 $0x5000;
	s14 =	simm.s32 $0x7C00;
	s15 =	simm.s32 $0xCC00  }
0x22: {  	s16 =	simm.s32 $0xA400;
	s17 =	simm.s32 $0xF400;
	s18 =	simm.s32 $0x0  }
.LBB2_3:
0x23: {  	s19 =	sshll.u32 s18, $0x6  }
0x24: {  	s20 =	sadd.s32 s6, s19  }
0x25: {  	[tilespmem:s8], [sflag:$0x1] =	stream.linear.gather [hbm4b:s20+s11], $0x200, $0x38;
	[tilespmem:$0x11C00] =	vst v63  }
0x26: {  	_ =	swait.ge [sflag:s9], $0x200  }
0x27: {  	[sflag:s9] =	ssyncset.done $0x0  }
0x28: {  	s19 =	sadd.s32 s7, s19;
	[sflag:s9] =	ssyncadd.s32 $0xFFFFFE00  }
0x29: {  	[tilespmem:s10], [sflag:$0x1] =	stream.linear.gather [hbm4b:s19+s11], $0x200, $0x38;
	[tilespmem:$0x11C00] =	vst v63  }
0x2a: {  	_ =	swait.ge [sflag:s9], $0x200  }
0x2b: {  	[sflag:s9] =	ssyncset.done $0x0  }
0x2c: {  	s31 =	simm.s32 $0x0;
	[sflag:s9] =	ssyncadd.s32 $0xFFFFFE00  }
0x2d: {  	v0 =	vld [tilespmem:s31+$0x7800]  }
0x2e: {  	v1 =	vld [tilespmem:s31+$0x7A00];
	_ =	sdelay $0x6  }
0x2f: {  	v2 =	vld.idx.msk [tilespmem:v0+s11+$0x0], $0xffff  }
0x30: {  	v3 =	vld.idx.msk [tilespmem:v1+s12+$0x0], $0xffff;
	_ =	sdelay $0x4  }
0x31: {  	v2 =	vadd.f32 v3, v2  }
0x32: {  	v3 =	vld.idx.msk [tilespmem:v1+s13+$0x0], $0xffff  }
0x33: {  	v4 =	vmul.f32 $2.000000030e-01, v2  }
0x34: {  	vm0 =	vlt.f32 v2, $0.0e+00  }
0x35: {  	v2 =	vsel vm0, v4, v2  }
0x36: {  	v2 =	vmul.f32 $1.442695020e+00, v2  }
0x37: {  	v3 =	vadd.f32 $1.000000020e-16, v3  }
0x38: {  	(erf) = vpow2.f32 v2  }
0x39: {  	(erf) = vrcp.f32 v3;
	_ =	sdelay $0x6  }
0x3a: {  	v2 =	vld.idx.msk [tilespmem:v0+s14+$0x0], $0xffff  }
0x3b: {  	p0 =	slt.u32 s2, $0x50910;
	v3 =	vpop (erf)  }
0x3c: {  	v3 =	vpsel !p0, $0x0, v3;
	v63 =	vpop (erf)  }
0x3d: {  	v3 =	vmul.f32 v3, v63;
	_ =	sdelay $0x1  }
0x3e: {  	v2 =	vmul.f32 v3, v2;
	_ =	sdelay $0x1  }
0x3f: {  	[tilespmem:v1+s15+$0x0] =	vst.idx.add.f32.msk $0xffff, v2  }
0x40: {  	v0 =	vld.idx.msk [tilespmem:v0+s16+$0x0], $0xffff;
	_ =	sdelay $0x4  }
0x41: {  	v0 =	vmul.f32 v3, v0;
	_ =	sdelay $0x1  }
0x42: {  	s21 =	simm.s32 $0x10;
	[tilespmem:v1+s17+$0x0] =	vst.idx.add.f32.msk $0xffff, v0  }
0x43: {  	s20 =	simm.s32 $0x80;
	s19 =	smov.u32 s2;
	v0 =	vld [tilespmem:s21+$0x7800]  }
.LBB2_4:
0x44: {  	p0 =	sne.s32 s20, $0x7C0;
	v1 =	vld [tilespmem:s21+$0x7A00];
	_ =	sdelay $0x6  }
0x45: {  	v2 =	vld.idx.msk [tilespmem:v0+s11+$0x0], $0xffff  }
0x46: {  	v3 =	vld.idx.msk [tilespmem:v1+s12+$0x0], $0xffff;
	_ =	sdelay $0x5  }
0x47: {  	v2 =	vadd.f32 v3, v2;
	v3 =	vld.idx.msk [tilespmem:v1+s13+$0x0], $0xffff;
	_ =	sdelay $0x1  }
0x48: {  	v4 =	vmul.f32 $2.000000030e-01, v2  }
0x49: {  	vm0 =	vlt.f32 v2, $0.0e+00  }
0x4a: {  	v2 =	vsel vm0, v4, v2  }
0x4b: {  	v2 =	vmul.f32 $1.442695020e+00, v2  }
0x4c: {  	v3 =	vadd.f32 $1.000000020e-16, v3  }
0x4d: {  	(erf) = vpow2.f32 v2  }
0x4e: {  	(erf) = vrcp.f32 v3;
	_ =	sdelay $0x5  }
0x4f: {  	v2 =	vld.idx.msk [tilespmem:v0+s14+$0x0], $0xffff  }
0x50: {  	s19 =	sadd.s32 $0x10, s19  }
0x51: {  	p1 =	slt.u32 s19, $0x50910;
	v3 =	vpop (erf)  }
0x52: {  	v3 =	vpsel !p1, $0x0, v3;
	v4 =	vpop (erf)  }
0x53: {  	v3 =	vmul.f32 v3, v4;
	_ =	sdelay $0x1  }
0x54: {  	v2 =	vmul.f32 v3, v2;
	_ =	sdelay $0x1  }
0x55: {  	[tilespmem:v1+s15+$0x0] =	vst.idx.add.f32.msk $0xffff, v2  }
0x56: {  	v0 =	vld.idx.msk [tilespmem:v0+s16+$0x0], $0xffff;
	_ =	sdelay $0x4  }
.Ltmp1:
0x57: {  	(pc) =	sbr.rel @p0 .LBB2_4-.Ltmp1, $3  }
0x58: {  	v0 =	vmul.f32 v3, v0;
	_ =	sdelay $0x1  }
0x59: {  	s21 =	sshra.s32 s20, $0x2;
	[tilespmem:v1+s17+$0x0] =	vst.idx.add.f32.msk $0xffff, v0  }
0x5a: {  	s20 =	sadd.s32 $0x40, s20;
	v0 =	vld [tilespmem:s21+$0x7800]  }
0x5b: {  	_ = 	snop  }
0x5c: {  	v1 =	vld [tilespmem:s21+$0x7A00];
	_ =	sdelay $0x6  }
0x5d: {  	v2 =	vld.idx.msk [tilespmem:v0+s11+$0x0], $0xffff  }
0x5e: {  	v3 =	vld.idx.msk [tilespmem:v1+s12+$0x0], $0xffff;
	_ =	sdelay $0x4  }
0x5f: {  	v2 =	vadd.f32 v3, v2  }
0x60: {  	v59 =	vld.idx.msk [tilespmem:v1+s13+$0x0], $0xffff  }
0x61: {  	v4 =	vmul.f32 $2.000000030e-01, v2  }
0x62: {  	vm0 =	vlt.f32 v2, $0.0e+00  }
0x63: {  	v2 =	vsel vm0, v4, v2  }
0x64: {  	v2 =	vmul.f32 $1.442695020e+00, v2  }
0x65: {  	v3 =	vadd.f32 $1.000000020e-16, v59  }
0x66: {  	(erf) = vpow2.f32 v2  }
0x67: {  	(erf) = vrcp.f32 v3;
	_ =	sdelay $0x6  }
0x68: {  	s19 =	sadd.s32 $0x10, s19;
	v60 =	vld.idx.msk [tilespmem:v0+s14+$0x0], $0xffff  }
0x69: {  	p0 =	slt.u32 s19, $0x50910;
	v61 =	vpop (erf)  }
0x6a: {  	v3 =	vpsel !p0, $0x0, v61;
	v62 =	vpop (erf)  }
0x6b: {  	v3 =	vmul.f32 v3, v62;
	_ =	sdelay $0x1  }
0x6c: {  	v2 =	vmul.f32 v3, v60;
	_ =	sdelay $0x1  }
0x6d: {  	[tilespmem:v1+s15+$0x0] =	vst.idx.add.f32.msk $0xffff, v2  }
0x6e: {  	v63 =	vld.idx.msk [tilespmem:v0+s16+$0x0], $0xffff  }
0x6f: {  	s18 =	sadd.s32 $0x1, s18  }
0x70: {  	p0 =	sne.s32 s18, $0x2A0  }
.Ltmp2:
0x71: {  	_ = 	snop;
	(pc) =	sbr.rel @p0 .LBB2_3-.Ltmp2, $3  }
0x72: {  	_ = 	snop  }
0x73: {  	v0 =	vmul.f32 v3, v63;
	_ =	sdelay $0x1  }
0x74: {  	s2 =	sadd.s32 $0x200, s2;
	[tilespmem:v1+s17+$0x0] =	vst.idx.add.f32.msk $0xffff, v0  }
0x75: {  	s2 =	sadd.s32 s5, s3  }
0x76: {  	s29 =	simm.s32 $0x0;
	s6 =	simm.s32 $0xCC00;
	s30 =	simm.s32 $0x1  }
0x77: {  	[hbm4b:s2+s29] =	stream.linear.scatter [tilespmem:s6], [sflag:$0x1], $0x2800, $0x38;
	[tilespmem:$0x11C00] =	vst v63  }
0x78: {  	_ =	swait.ge [sflag:s30], $0x2800  }
0x79: {  	[sflag:s30] =	ssyncset.done $0x0  }
0x7a: {  	s4 =	sadd.s32 s5, s4;
	s31 =	simm.s32 $0xF400;
	[sflag:s30] =	ssyncadd.s32 $0xFFFFD800  }
0x7b: {  	[hbm4b:s4+s29] =	stream.linear.scatter [tilespmem:s31], [sflag:$0x1], $0x2800, $0x38;
	[tilespmem:$0x11C00] =	vst v63  }
0x7c: {  	_ =	swait.ge [sflag:s30], $0x2800  }
0x7d: {  	[sflag:s30] =	ssyncset.done $0x0  }
0x7e: {  	[sflag:s30] =	ssyncadd.s32 $0xFFFFD800  }
0x7f: {  	_ =	sfence.sel $0x180000  }
0x80: {  	[bflag:$0x0] =	sbarrier.arrive $0xFFFF  }
0x81: {  	p0 =	sne.s32 s1, $0x0;
	_ =	strace $0x90000050  }
0x82: {  	s0 =	sadd.s32 @!p0 $0x100000, s0;
	[bflag:$0x2] =	sbarrier.arrive $0xFFFF  }
0x83: {  	[sflag:s0] =	ssyncadd.tile.s32 @!p0 $0x1;
	_ =	shalt  }
.Lfunc_end2:
_tile_overlayer_lowered:
.L_overlay_start_2:
0x84: {  	(tag) =	ssettag $0x2  }
0x85: {  	s0 =	rddreg [dreg:$0x0];
	s2 =	stileid.u32  }
0x86: {  	s1 =	rddreg [dreg:$0x1];
	p0 =	sne.s32 s2, $0x0  }
0x87: {  	s3 =	rddreg [dreg:$0x2];
	[bflag:$0x3] =	sbarrier.arrive $0xFFFF;
	s2 =	simm.s32 @!p0 $0x1C01  }
0x88: {  	[timem:s3], [sflag:s2] =	dma.local @!p0 [hbm:s0], s1  }
0x89: {  	s0 =	simm.s32 @!p0 $0x1  }
0x8a: {  	_ =	swait.ge @!p0 [sflag:s0], s1  }
0x8b: {  	s1 =	ssub.s32 @!p0 $0x0, s1;
	[sflag:s0] =	ssyncset.done @!p0 $0x0  }
0x8c: {  	[sflag:s0] =	ssyncadd.s32 @!p0 s1  }
0x8d: {  	[bflag:$0x3] =	sbarrier.arrive $0xFFFF  }
0x8e: {  	_ =	shalt  }

</sc_bundles>
